<compile_context>
chip_gen: v7x
topology: tpu7x:2x2x1
jax: 0.10.2.dev20260603
libtpu: 0.0.44.dev20260713+nightly
codegen_flags: <defaults>
</compile_context>

<pallas_src>
import jax
import jax.numpy as jnp
from jax import lax
from jax.experimental import pallas as pl
from jax.experimental.pallas import tpu as pltpu
from jax.experimental.pallas import tpu_sc as plsc

N_NODES = 10000
N_EDGES = 320000
DIM = 128
QW = 32
N_CLS = 10

NC = 2
NS = 16
IB = 1000
JB = 2
NCHUNK = 10
TILE_IDX_ROWS = NCHUNK * JB
ACC_ROWS = N_NODES + 8
ROWS_A = 640
ROWS_B = N_NODES - (NS - 1) * ROWS_A

BLK = 1000
GRID = N_NODES // BLK


def _segsum_body(xs, srcs2, dst2, out, gidx, didx, rows, tq, acc, gsem, ssem):
    c = lax.axis_index("c")
    s = lax.axis_index("s")
    r0 = pl.multiple_of(s * ROWS_A, 8)
    base = pl.multiple_of(s * TILE_IDX_ROWS, 8)

    for p in range(2):
        col = pl.multiple_of((c * 2 + p) * QW, 8)

        @pl.when(s < NS - 1)
        def _():
            pltpu.sync_copy(xs.at[pl.ds(r0, ROWS_A), pl.ds(col, QW)],
                            tq.at[pl.ds(r0, ROWS_A)])
            pltpu.sync_copy(xs.at[pl.ds(r0, ROWS_A), pl.ds(col, QW)],
                            acc.at[pl.ds(r0, ROWS_A)])

        @pl.when(s == NS - 1)
        def _():
            pltpu.sync_copy(xs.at[pl.ds(r0, ROWS_B), pl.ds(col, QW)],
                            tq.at[pl.ds(r0, ROWS_B)])
            pltpu.sync_copy(xs.at[pl.ds(r0, ROWS_B), pl.ds(col, QW)],
                            acc.at[pl.ds(r0, ROWS_B)])

        plsc.subcore_barrier()

        def chunk(i, carry):
            pltpu.sync_copy(srcs2.at[pl.ds(base + i * JB, JB)], gidx)
            pltpu.sync_copy(dst2.at[pl.ds(base + i * JB, JB)], didx)
            scat = []
            for h in range(JB):
                g = pltpu.async_copy(tq.at[gidx.at[h]], rows.at[h], gsem)
                g.wait()
                scat.append(pltpu.async_copy(
                    rows.at[h], acc.at[didx.at[h]], ssem, add=True))
            for cp in scat:
                cp.wait()
            return carry

        lax.fori_loop(0, NCHUNK, chunk, 0)
        plsc.subcore_barrier()

        @pl.when(s < NS - 1)
        def _():
            pltpu.sync_copy(acc.at[pl.ds(r0, ROWS_A)],
                            out.at[pl.ds(r0, ROWS_A), pl.ds(col, QW)])

        @pl.when(s == NS - 1)
        def _():
            pltpu.sync_copy(acc.at[pl.ds(r0, ROWS_B)],
                            out.at[pl.ds(r0, ROWS_B), pl.ds(col, QW)])

        plsc.subcore_barrier()


_segsum = pl.kernel(
    _segsum_body,
    out_type=jax.ShapeDtypeStruct((N_NODES, DIM), jnp.float32),
    mesh=plsc.VectorSubcoreMesh(core_axis_name="c", subcore_axis_name="s",
                                num_cores=NC, num_subcores=NS),
    compiler_params=pltpu.CompilerParams(use_tc_tiling_on_sc=False),
    scratch_types=[
        pltpu.VMEM((JB, IB), jnp.int32),
        pltpu.VMEM((JB, IB), jnp.int32),
        pltpu.VMEM((JB, IB, QW), jnp.float32),
        pltpu.VMEM_SHARED((ACC_ROWS, QW), jnp.float32),
        pltpu.VMEM_SHARED((ACC_ROWS, QW), jnp.float32),
        pltpu.SemaphoreType.DMA,
        pltpu.SemaphoreType.DMA,
    ],
)


def _mlp_body(hin_ref, w1_ref, b1_ref, w2_ref, b2_ref,
              p_ref, sum_ref, ssq_ref):
    h = jnp.dot(hin_ref[...], w1_ref[...], preferred_element_type=jnp.float32)
    h = jnp.maximum(h + b1_ref[...], 0.0)
    p = jnp.dot(h, w2_ref[...], preferred_element_type=jnp.float32)
    p = p + b2_ref[...]
    p_ref[...] = p

    @pl.when(pl.program_id(0) == 0)
    def _():
        sum_ref[...] = jnp.zeros_like(sum_ref)
        ssq_ref[...] = jnp.zeros_like(ssq_ref)

    sum_ref[...] += jnp.sum(p, axis=0, keepdims=True)
    ssq_ref[...] += jnp.sum(p * p, axis=0, keepdims=True)


def _mlp(hin, w1, b1, w2, b2):
    return pl.pallas_call(
        _mlp_body,
        grid=(GRID,),
        in_specs=[
            pl.BlockSpec((BLK, DIM), lambda i: (i, 0)),
            pl.BlockSpec((DIM, DIM), lambda i: (0, 0)),
            pl.BlockSpec((1, DIM), lambda i: (0, 0)),
            pl.BlockSpec((DIM, DIM), lambda i: (0, 0)),
            pl.BlockSpec((1, DIM), lambda i: (0, 0)),
        ],
        out_specs=[
            pl.BlockSpec((BLK, DIM), lambda i: (i, 0)),
            pl.BlockSpec((1, DIM), lambda i: (0, 0)),
            pl.BlockSpec((1, DIM), lambda i: (0, 0)),
        ],
        out_shape=[
            jax.ShapeDtypeStruct((N_NODES, DIM), jnp.float32),
            jax.ShapeDtypeStruct((1, DIM), jnp.float32),
            jax.ShapeDtypeStruct((1, DIM), jnp.float32),
        ],
    )(hin, w1, b1, w2, b2)


def _bn_coeffs(sum_ref, ssq_ref, g_ref, be_ref):
    mean = sum_ref[...] * (1.0 / N_NODES)
    var = ssq_ref[...] * (1.0 / N_NODES) - mean * mean
    scale = g_ref[...] * lax.rsqrt(var + 1e-5)
    shift = be_ref[...] - mean * scale
    return scale, shift


def _bnrelu_body(p_ref, sum_ref, ssq_ref, g_ref, be_ref, out_ref):
    scale, shift = _bn_coeffs(sum_ref, ssq_ref, g_ref, be_ref)
    out_ref[...] = jnp.maximum(p_ref[...] * scale + shift, 0.0)


def _bnrelu(p, s, ssq, g, be):
    return pl.pallas_call(
        _bnrelu_body,
        grid=(GRID,),
        in_specs=[
            pl.BlockSpec((BLK, DIM), lambda i: (i, 0)),
            pl.BlockSpec((1, DIM), lambda i: (0, 0)),
            pl.BlockSpec((1, DIM), lambda i: (0, 0)),
            pl.BlockSpec((1, DIM), lambda i: (0, 0)),
            pl.BlockSpec((1, DIM), lambda i: (0, 0)),
        ],
        out_specs=pl.BlockSpec((BLK, DIM), lambda i: (i, 0)),
        out_shape=jax.ShapeDtypeStruct((N_NODES, DIM), jnp.float32),
    )(p, s, ssq, g, be)


def _head_body(p_ref, sum_ref, ssq_ref, g_ref, be_ref,
               wc1_ref, bc1_ref, wc2_ref, bc2_ref,
               latent_ref, class_ref):
    scale, shift = _bn_coeffs(sum_ref, ssq_ref, g_ref, be_ref)
    latent = jnp.maximum(p_ref[...] * scale + shift, 0.0)
    latent_ref[...] = latent
    cmid = jnp.dot(latent, wc1_ref[...], preferred_element_type=jnp.float32)
    cmid = jnp.maximum(cmid + bc1_ref[...], 0.0)
    cls = jnp.dot(cmid, wc2_ref[...], preferred_element_type=jnp.float32)
    class_ref[...] = cls + bc2_ref[...]


def _head(p, s, ssq, g, be, wc1, bc1, wc2, bc2):
    return pl.pallas_call(
        _head_body,
        grid=(GRID,),
        in_specs=[
            pl.BlockSpec((BLK, DIM), lambda i: (i, 0)),
            pl.BlockSpec((1, DIM), lambda i: (0, 0)),
            pl.BlockSpec((1, DIM), lambda i: (0, 0)),
            pl.BlockSpec((1, DIM), lambda i: (0, 0)),
            pl.BlockSpec((1, DIM), lambda i: (0, 0)),
            pl.BlockSpec((DIM, DIM), lambda i: (0, 0)),
            pl.BlockSpec((1, DIM), lambda i: (0, 0)),
            pl.BlockSpec((DIM, N_CLS), lambda i: (0, 0)),
            pl.BlockSpec((1, N_CLS), lambda i: (0, 0)),
        ],
        out_specs=[
            pl.BlockSpec((BLK, DIM), lambda i: (i, 0)),
            pl.BlockSpec((BLK, N_CLS), lambda i: (i, 0)),
        ],
        out_shape=[
            jax.ShapeDtypeStruct((N_NODES, DIM), jnp.float32),
            jax.ShapeDtypeStruct((N_NODES, N_CLS), jnp.float32),
        ],
    )(p, s, ssq, g, be, wc1, bc1, wc2, bc2)


@jax.jit
def kernel(x, edge_index, W11, b11, W12, b12, W21, b21, W22, b22,
           g1, be1, g2, be2, Wc1, bc1, Wc2, bc2):
    src = edge_index[0]
    dst = edge_index[1]
    srcs2 = src.reshape(-1, IB)
    dst2 = dst.reshape(-1, IB)

    row = lambda v: v.reshape(1, -1)
    b11r, b12r, b21r, b22r = row(b11), row(b12), row(b21), row(b22)
    g1r, be1r, g2r, be2r = row(g1), row(be1), row(g2), row(be2)
    bc1r, bc2r = row(bc1), row(bc2)

    hin1 = _segsum(x, srcs2, dst2)
    p1, s1, q1 = _mlp(hin1, W11, b11r, W12, b12r)
    h1 = _bnrelu(p1, s1, q1, g1r, be1r)
    hin2 = _segsum(h1, srcs2, dst2)
    p2, s2, q2 = _mlp(hin2, W21, b21r, W22, b22r)
    latent, class_out = _head(p2, s2, q2, g2r, be2r, Wc1, bc1r, Wc2, bc2r)
    return (latent, class_out)

# --- scband reference (transcript-rebuilt; emitter-appended) ---
"""Pipeline reference for scband-ginmodel-batches-exp-61014305407332 (READ-ONLY COPY).

The authoritative reference and input builder live on the scoring server;
editing this copy changes nothing except your own understanding.
"""

import jax, jax.numpy as jnp
import numpy as np

N = 10000
E = 320000
D = 128
H = 128
C = 10


def _glorot(key, shape):
    fan_in = shape[0]
    return (jax.random.normal(key, shape, dtype=jnp.float32) / jnp.sqrt(fan_in)).astype(jnp.float32)


def setup_inputs(seed: int = 0) -> dict:
    key = jax.random.key(seed)
    ks = jax.random.split(key, 20)
    x = jax.random.normal(ks[0], (N, D), dtype=jnp.float32)
    edge_index = jax.random.randint(ks[1], (2, E), 0, N, dtype=jnp.int32)
    params = {
        'W11': _glorot(ks[2], (D, H)), 'b11': jnp.zeros((H,), jnp.float32),
        'W12': _glorot(ks[3], (H, H)), 'b12': jnp.zeros((H,), jnp.float32),
        'W21': _glorot(ks[4], (H, H)), 'b21': jnp.zeros((H,), jnp.float32),
        'W22': _glorot(ks[5], (H, H)), 'b22': jnp.zeros((H,), jnp.float32),
        'g1': jnp.ones((H,), jnp.float32), 'be1': jnp.zeros((H,), jnp.float32),
        'g2': jnp.ones((H,), jnp.float32), 'be2': jnp.zeros((H,), jnp.float32),
        'Wc1': _glorot(ks[6], (H, H)), 'bc1': jnp.zeros((H,), jnp.float32),
        'Wc2': _glorot(ks[7], (H, C)), 'bc2': jnp.zeros((C,), jnp.float32),
    }
    return {'x': x, 'edge_index': edge_index, **params}


def _gin_conv(x, edge_index, W1, b1, W2, b2, eps=0.0):
    src = edge_index[0]
    dst = edge_index[1]
    msgs = x[src]
    agg = jax.ops.segment_sum(msgs, dst, num_segments=x.shape[0])
    h = (1.0 + eps) * x + agg
    h = h @ W1 + b1
    h = jax.nn.relu(h)
    h = h @ W2 + b2
    return h


def _batch_norm(x, gamma, beta, eps=1e-5):
    mean = jnp.mean(x, axis=0)
    var = jnp.var(x, axis=0)
    return gamma * (x - mean) * jax.lax.rsqrt(var + eps) + beta


def reference(x, edge_index, W11, b11, W12, b12, W21, b21, W22, b22, g1, be1, g2, be2, Wc1, bc1, Wc2, bc2):
    h = _gin_conv(x, edge_index, W11, b11, W12, b12)
    h = _batch_norm(h, g1, be1)
    h = jax.nn.relu(h)
    h = _gin_conv(h, edge_index, W21, b21, W22, b22)
    h = _batch_norm(h, g2, be2)
    latent = jax.nn.relu(h)
    c = latent @ Wc1 + bc1
    c = jax.nn.relu(c)
    # dropout omitted (deterministic eval / identity)
    class_out = c @ Wc2 + bc2
    return (latent, class_out)

if __name__ == "__main__":
    import jax
    _d = setup_inputs()
    print(jax.jit(kernel)(*tuple(_d.values())))

</pallas_src>

<mosaic_0001>
#map = affine_map<(d0, d1) -> (0, 0)>
module attributes {stable_mosaic.version = 14 : i64} {
  func.func @_segsum_body(%arg0: i32, %arg1: i32, %arg2: memref<10000x128xf32, #tpu.memory_space<hbm>>, %arg3: memref<320x1000xi32, #tpu.memory_space<hbm>>, %arg4: memref<320x1000xi32, #tpu.memory_space<hbm>>, %arg5: memref<10000x128xf32, #tpu.memory_space<hbm>>, %arg6: memref<2x1000xi32, #tpu.memory_space<vmem>>, %arg7: memref<2x1000xi32, #tpu.memory_space<vmem>>, %arg8: memref<2x1000x32xf32, #tpu.memory_space<vmem>>, %arg9: memref<10008x32xf32, #tpu.memory_space<vmem_shared>>, %arg10: memref<10008x32xf32, #tpu.memory_space<vmem_shared>>, %arg11: memref<!tpu.dma_semaphore, #tpu.memory_space<semaphore_mem>>, %arg12: memref<!tpu.dma_semaphore, #tpu.memory_space<semaphore_mem>>) attributes {dimension_semantics = [#tpu.dimension_semantics<core_parallel>, #tpu.dimension_semantics<subcore_parallel>], iteration_bounds = array<i64: 2, 16>, scalar_prefetch = 0 : i64, scratch_operands = 7 : i64, tpu.core_type = #tpu.core_type<sc_vector_subcore>, window_params = [{transform_indices = #map}, {transform_indices = #map}, {transform_indices = #map}, {transform_indices = #map}]} {
    %mul3A = arith.constant 640 : i32
    %mul3A_0 = arith.muli %arg1, %mul3A : i32
    %multiple_of3A = tpu.assume_multiple %mul3A_0, 8 : i32
    %mul3A_1 = arith.constant 20 : i32
    %mul3A_2 = arith.muli %arg1, %mul3A_1 : i32
    %multiple_of3A_3 = tpu.assume_multiple %mul3A_2, 8 : i32
    %mul3A_4 = arith.constant 2 : i32
    %mul3A_5 = arith.muli %arg0, %mul3A_4 : i32
    %add3A = arith.constant 0 : i32
    %add3A_6 = arith.addi %mul3A_5, %add3A : i32
    %mul3A_7 = arith.constant 32 : i32
    %mul3A_8 = arith.muli %add3A_6, %mul3A_7 : i32
    %multiple_of3A_9 = tpu.assume_multiple %mul3A_8, 8 : i32
    %lt3A = arith.constant 15 : i32
    %lt3A_10 = arith.cmpi slt, %arg1, %lt3A : i32
    %convert_element_type3A = arith.extui %lt3A_10 : i1 to i32
    %cond3A = arith.constant 0 : i32
    %cond3A_11 = arith.cmpi ne, %convert_element_type3A, %cond3A : i32
    scf.if %cond3A_11 {
      "tpu.region"() ({
        %run_scoped3A = tpu.sem_alloc : memref<!tpu.dma_semaphore, #tpu.memory_space<semaphore_mem>>
        %dma_start3A = arith.constant 0 : i32
        %dma_start3A_69 = tpu.memref_slice %arg9[%multiple_of3A, %dma_start3A] : memref<10008x32xf32, #tpu.memory_space<vmem_shared>> -> memref<640x32xf32, #tpu.memory_space<vmem_shared>>
        %dma_start3A_70 = tpu.memref_slice %arg2[%multiple_of3A, %multiple_of3A_9] : memref<10000x128xf32, #tpu.memory_space<hbm>> -> memref<640x32xf32, #tpu.memory_space<hbm>>
        tpu.enqueue_dma source(%dma_start3A_70 : memref<640x32xf32, #tpu.memory_space<hbm>>) target(%dma_start3A_69 : memref<640x32xf32, #tpu.memory_space<vmem_shared>>) target_semaphore(%run_scoped3A : memref<!tpu.dma_semaphore, #tpu.memory_space<semaphore_mem>>)
        %dma_wait3A = arith.constant 0 : i32
        %dma_wait3A_71 = tpu.memref_slice %arg9[%multiple_of3A, %dma_wait3A] : memref<10008x32xf32, #tpu.memory_space<vmem_shared>> -> memref<640x32xf32, #tpu.memory_space<vmem_shared>>
        %dma_wait3A_72 = tpu.memref_slice %arg2[%multiple_of3A, %multiple_of3A_9] : memref<10000x128xf32, #tpu.memory_space<hbm>> -> memref<640x32xf32, #tpu.memory_space<hbm>>
        tpu.wait_dma2 semaphore(%run_scoped3A : memref<!tpu.dma_semaphore, #tpu.memory_space<semaphore_mem>>) src(%dma_wait3A_72 : memref<640x32xf32, #tpu.memory_space<hbm>>) dst(%dma_wait3A_71 : memref<640x32xf32, #tpu.memory_space<vmem_shared>>)
        tpu.yield
      }) : () -> ()
      "tpu.region"() ({
        %run_scoped3A = tpu.sem_alloc : memref<!tpu.dma_semaphore, #tpu.memory_space<semaphore_mem>>
        %dma_start3A = arith.constant 0 : i32
        %dma_start3A_69 = tpu.memref_slice %arg10[%multiple_of3A, %dma_start3A] : memref<10008x32xf32, #tpu.memory_space<vmem_shared>> -> memref<640x32xf32, #tpu.memory_space<vmem_shared>>
        %dma_start3A_70 = tpu.memref_slice %arg2[%multiple_of3A, %multiple_of3A_9] : memref<10000x128xf32, #tpu.memory_space<hbm>> -> memref<640x32xf32, #tpu.memory_space<hbm>>
        tpu.enqueue_dma source(%dma_start3A_70 : memref<640x32xf32, #tpu.memory_space<hbm>>) target(%dma_start3A_69 : memref<640x32xf32, #tpu.memory_space<vmem_shared>>) target_semaphore(%run_scoped3A : memref<!tpu.dma_semaphore, #tpu.memory_space<semaphore_mem>>)
        %dma_wait3A = arith.constant 0 : i32
        %dma_wait3A_71 = tpu.memref_slice %arg10[%multiple_of3A, %dma_wait3A] : memref<10008x32xf32, #tpu.memory_space<vmem_shared>> -> memref<640x32xf32, #tpu.memory_space<vmem_shared>>
        %dma_wait3A_72 = tpu.memref_slice %arg2[%multiple_of3A, %multiple_of3A_9] : memref<10000x128xf32, #tpu.memory_space<hbm>> -> memref<640x32xf32, #tpu.memory_space<hbm>>
        tpu.wait_dma2 semaphore(%run_scoped3A : memref<!tpu.dma_semaphore, #tpu.memory_space<semaphore_mem>>) src(%dma_wait3A_72 : memref<640x32xf32, #tpu.memory_space<hbm>>) dst(%dma_wait3A_71 : memref<640x32xf32, #tpu.memory_space<vmem_shared>>)
        tpu.yield
      }) : () -> ()
    } else {
    }
    %eq3A = arith.constant 15 : i32
    %eq3A_12 = arith.cmpi eq, %arg1, %eq3A : i32
    %convert_element_type3A_13 = arith.extui %eq3A_12 : i1 to i32
    %cond3A_14 = arith.constant 0 : i32
    %cond3A_15 = arith.cmpi ne, %convert_element_type3A_13, %cond3A_14 : i32
    scf.if %cond3A_15 {
      "tpu.region"() ({
        %run_scoped3A = tpu.sem_alloc : memref<!tpu.dma_semaphore, #tpu.memory_space<semaphore_mem>>
        %dma_start3A = arith.constant 0 : i32
        %dma_start3A_69 = tpu.memref_slice %arg9[%multiple_of3A, %dma_start3A] : memref<10008x32xf32, #tpu.memory_space<vmem_shared>> -> memref<400x32xf32, #tpu.memory_space<vmem_shared>>
        %dma_start3A_70 = tpu.memref_slice %arg2[%multiple_of3A, %multiple_of3A_9] : memref<10000x128xf32, #tpu.memory_space<hbm>> -> memref<400x32xf32, #tpu.memory_space<hbm>>
        tpu.enqueue_dma source(%dma_start3A_70 : memref<400x32xf32, #tpu.memory_space<hbm>>) target(%dma_start3A_69 : memref<400x32xf32, #tpu.memory_space<vmem_shared>>) target_semaphore(%run_scoped3A : memref<!tpu.dma_semaphore, #tpu.memory_space<semaphore_mem>>)
        %dma_wait3A = arith.constant 0 : i32
        %dma_wait3A_71 = tpu.memref_slice %arg9[%multiple_of3A, %dma_wait3A] : memref<10008x32xf32, #tpu.memory_space<vmem_shared>> -> memref<400x32xf32, #tpu.memory_space<vmem_shared>>
        %dma_wait3A_72 = tpu.memref_slice %arg2[%multiple_of3A, %multiple_of3A_9] : memref<10000x128xf32, #tpu.memory_space<hbm>> -> memref<400x32xf32, #tpu.memory_space<hbm>>
        tpu.wait_dma2 semaphore(%run_scoped3A : memref<!tpu.dma_semaphore, #tpu.memory_space<semaphore_mem>>) src(%dma_wait3A_72 : memref<400x32xf32, #tpu.memory_space<hbm>>) dst(%dma_wait3A_71 : memref<400x32xf32, #tpu.memory_space<vmem_shared>>)
        tpu.yield
      }) : () -> ()
      "tpu.region"() ({
        %run_scoped3A = tpu.sem_alloc : memref<!tpu.dma_semaphore, #tpu.memory_space<semaphore_mem>>
        %dma_start3A = arith.constant 0 : i32
        %dma_start3A_69 = tpu.memref_slice %arg10[%multiple_of3A, %dma_start3A] : memref<10008x32xf32, #tpu.memory_space<vmem_shared>> -> memref<400x32xf32, #tpu.memory_space<vmem_shared>>
        %dma_start3A_70 = tpu.memref_slice %arg2[%multiple_of3A, %multiple_of3A_9] : memref<10000x128xf32, #tpu.memory_space<hbm>> -> memref<400x32xf32, #tpu.memory_space<hbm>>
        tpu.enqueue_dma source(%dma_start3A_70 : memref<400x32xf32, #tpu.memory_space<hbm>>) target(%dma_start3A_69 : memref<400x32xf32, #tpu.memory_space<vmem_shared>>) target_semaphore(%run_scoped3A : memref<!tpu.dma_semaphore, #tpu.memory_space<semaphore_mem>>)
        %dma_wait3A = arith.constant 0 : i32
        %dma_wait3A_71 = tpu.memref_slice %arg10[%multiple_of3A, %dma_wait3A] : memref<10008x32xf32, #tpu.memory_space<vmem_shared>> -> memref<400x32xf32, #tpu.memory_space<vmem_shared>>
        %dma_wait3A_72 = tpu.memref_slice %arg2[%multiple_of3A, %multiple_of3A_9] : memref<10000x128xf32, #tpu.memory_space<hbm>> -> memref<400x32xf32, #tpu.memory_space<hbm>>
        tpu.wait_dma2 semaphore(%run_scoped3A : memref<!tpu.dma_semaphore, #tpu.memory_space<semaphore_mem>>) src(%dma_wait3A_72 : memref<400x32xf32, #tpu.memory_space<hbm>>) dst(%dma_wait3A_71 : memref<400x32xf32, #tpu.memory_space<vmem_shared>>)
        tpu.yield
      }) : () -> ()
    } else {
    }
    %barrier3A = arith.constant 0 : index
    tpu.barrier barrier_id(%barrier3A)
    %scan3A = arith.constant 0 : i32
    %scan3A_16 = arith.constant 0 : i32
    %scan3A_17 = arith.constant 10 : i32
    %scan3A_18 = arith.addi %scan3A_16, %scan3A_17 : i32
    %scan3A_19 = arith.constant 1 : i32
    scf.for %scan3A_69 = %scan3A_16 to %scan3A_18 step %scan3A_19  : i32 {
      %mul3A_70 = arith.constant 2 : i32
      %mul3A_71 = arith.muli %scan3A_69, %mul3A_70 : i32
      %add3A_72 = arith.addi %multiple_of3A_3, %mul3A_71 : i32
      "tpu.region"() ({
        %run_scoped3A = tpu.sem_alloc : memref<!tpu.dma_semaphore, #tpu.memory_space<semaphore_mem>>
        %dma_start3A_170 = arith.constant 0 : i32
        %dma_start3A_171 = tpu.memref_slice %arg3[%add3A_72, %dma_start3A_170] : memref<320x1000xi32, #tpu.memory_space<hbm>> -> memref<2x1000xi32, #tpu.memory_space<hbm>>
        %dma_start3A_172 = arith.constant 0 : i32
        %dma_start3A_173 = tpu.memref_slice %arg3[%add3A_72, %dma_start3A_172] : memref<320x1000xi32, #tpu.memory_space<hbm>> -> memref<2x1000xi32, #tpu.memory_space<hbm>>
        tpu.enqueue_dma source(%dma_start3A_173 : memref<2x1000xi32, #tpu.memory_space<hbm>>) target(%arg6 : memref<2x1000xi32, #tpu.memory_space<vmem>>) target_semaphore(%run_scoped3A : memref<!tpu.dma_semaphore, #tpu.memory_space<semaphore_mem>>)
        %dma_wait3A_174 = arith.constant 0 : i32
        %dma_wait3A_175 = tpu.memref_slice %arg3[%add3A_72, %dma_wait3A_174] : memref<320x1000xi32, #tpu.memory_space<hbm>> -> memref<2x1000xi32, #tpu.memory_space<hbm>>
        %dma_wait3A_176 = arith.constant 0 : i32
        %dma_wait3A_177 = tpu.memref_slice %arg3[%add3A_72, %dma_wait3A_176] : memref<320x1000xi32, #tpu.memory_space<hbm>> -> memref<2x1000xi32, #tpu.memory_space<hbm>>
        tpu.wait_dma2 semaphore(%run_scoped3A : memref<!tpu.dma_semaphore, #tpu.memory_space<semaphore_mem>>) src(%dma_wait3A_177 : memref<2x1000xi32, #tpu.memory_space<hbm>>) dst(%arg6 : memref<2x1000xi32, #tpu.memory_space<vmem>>)
        tpu.yield
      }) : () -> ()
      %mul3A_73 = arith.constant 2 : i32
      %mul3A_74 = arith.muli %scan3A_69, %mul3A_73 : i32
      %add3A_75 = arith.addi %multiple_of3A_3, %mul3A_74 : i32
      "tpu.region"() ({
        %run_scoped3A = tpu.sem_alloc : memref<!tpu.dma_semaphore, #tpu.memory_space<semaphore_mem>>
        %dma_start3A_170 = arith.constant 0 : i32
        %dma_start3A_171 = tpu.memref_slice %arg4[%add3A_75, %dma_start3A_170] : memref<320x1000xi32, #tpu.memory_space<hbm>> -> memref<2x1000xi32, #tpu.memory_space<hbm>>
        %dma_start3A_172 = arith.constant 0 : i32
        %dma_start3A_173 = tpu.memref_slice %arg4[%add3A_75, %dma_start3A_172] : memref<320x1000xi32, #tpu.memory_space<hbm>> -> memref<2x1000xi32, #tpu.memory_space<hbm>>
        tpu.enqueue_dma source(%dma_start3A_173 : memref<2x1000xi32, #tpu.memory_space<hbm>>) target(%arg7 : memref<2x1000xi32, #tpu.memory_space<vmem>>) target_semaphore(%run_scoped3A : memref<!tpu.dma_semaphore, #tpu.memory_space<semaphore_mem>>)
        %dma_wait3A_174 = arith.constant 0 : i32
        %dma_wait3A_175 = tpu.memref_slice %arg4[%add3A_75, %dma_wait3A_174] : memref<320x1000xi32, #tpu.memory_space<hbm>> -> memref<2x1000xi32, #tpu.memory_space<hbm>>
        %dma_wait3A_176 = arith.constant 0 : i32
        %dma_wait3A_177 = tpu.memref_slice %arg4[%add3A_75, %dma_wait3A_176] : memref<320x1000xi32, #tpu.memory_space<hbm>> -> memref<2x1000xi32, #tpu.memory_space<hbm>>
        tpu.wait_dma2 semaphore(%run_scoped3A : memref<!tpu.dma_semaphore, #tpu.memory_space<semaphore_mem>>) src(%dma_wait3A_177 : memref<2x1000xi32, #tpu.memory_space<hbm>>) dst(%arg7 : memref<2x1000xi32, #tpu.memory_space<vmem>>)
        tpu.yield
      }) : () -> ()
      %dma_start3A = arith.constant 0 : i32
      %dma_start3A_76 = arith.constant 0 : i32
      %dma_start3A_77 = arith.constant 0 : i32
      %dma_start3A_78 = arith.constant 0 : i32
      %dma_start3A_79 = tpu.memref_slice %arg8[%dma_start3A_76, %dma_start3A_77, %dma_start3A_78] : memref<2x1000x32xf32, #tpu.memory_space<vmem>> -> memref<1x1000x32xf32, #tpu.memory_space<vmem>>
      %dma_start3A_80 = tpu.memref_squeeze %dma_start3A_79 : memref<1x1000x32xf32, #tpu.memory_space<vmem>> -> memref<1000x32xf32, #tpu.memory_space<vmem>>
      %dma_start3A_81 = arith.constant 0 : i32
      %dma_start3A_82 = tpu.memref_slice %arg6[%dma_start3A, %dma_start3A_81] : memref<2x1000xi32, #tpu.memory_space<vmem>> -> memref<1x1000xi32, #tpu.memory_space<vmem>>
      %dma_start3A_83 = tpu.memref_squeeze %dma_start3A_82 : memref<1x1000xi32, #tpu.memory_space<vmem>> -> memref<1000xi32, #tpu.memory_space<vmem>>
      %dma_start3A_84 = arith.constant 0 : i32
      %dma_start3A_85 = arith.constant 0 : i32
      %dma_start3A_86 = tpu.memref_slice %arg9[%dma_start3A_84, %dma_start3A_85] : memref<10008x32xf32, #tpu.memory_space<vmem_shared>> -> memref<10008x32xf32, #tpu.memory_space<vmem_shared>>
      tpu.enqueue_indirect_dma source(%dma_start3A_86 : memref<10008x32xf32, #tpu.memory_space<vmem_shared>>) target(%dma_start3A_80 : memref<1000x32xf32, #tpu.memory_space<vmem>>) offsets(%dma_start3A_83 : memref<1000xi32, #tpu.memory_space<vmem>>) semaphore(%arg11 : memref<!tpu.dma_semaphore, #tpu.memory_space<semaphore_mem>>)
      %dma_wait3A = arith.constant 0 : i32
      %dma_wait3A_87 = arith.constant 0 : i32
      %dma_wait3A_88 = arith.constant 0 : i32
      %dma_wait3A_89 = arith.constant 0 : i32
      %dma_wait3A_90 = tpu.memref_slice %arg8[%dma_wait3A_87, %dma_wait3A_88, %dma_wait3A_89] : memref<2x1000x32xf32, #tpu.memory_space<vmem>> -> memref<1x1000x32xf32, #tpu.memory_space<vmem>>
      %dma_wait3A_91 = tpu.memref_squeeze %dma_wait3A_90 : memref<1x1000x32xf32, #tpu.memory_space<vmem>> -> memref<1000x32xf32, #tpu.memory_space<vmem>>
      %dma_wait3A_92 = arith.constant 0 : i32
      %dma_wait3A_93 = tpu.memref_slice %arg6[%dma_wait3A, %dma_wait3A_92] : memref<2x1000xi32, #tpu.memory_space<vmem>> -> memref<1x1000xi32, #tpu.memory_space<vmem>>
      %dma_wait3A_94 = tpu.memref_squeeze %dma_wait3A_93 : memref<1x1000xi32, #tpu.memory_space<vmem>> -> memref<1000xi32, #tpu.memory_space<vmem>>
      %dma_wait3A_95 = arith.constant 0 : i32
      %dma_wait3A_96 = arith.constant 0 : i32
      %dma_wait3A_97 = tpu.memref_slice %arg9[%dma_wait3A_95, %dma_wait3A_96] : memref<10008x32xf32, #tpu.memory_space<vmem_shared>> -> memref<10008x32xf32, #tpu.memory_space<vmem_shared>>
      tpu.wait_indirect_dma semaphore(%arg11 : memref<!tpu.dma_semaphore, #tpu.memory_space<semaphore_mem>>) src(%dma_wait3A_97 : memref<10008x32xf32, #tpu.memory_space<vmem_shared>>) dst(%dma_wait3A_91 : memref<1000x32xf32, #tpu.memory_space<vmem>>)
      %dma_start3A_98 = arith.constant 0 : i32
      %dma_start3A_99 = arith.constant 0 : i32
      %dma_start3A_100 = arith.constant 0 : i32
      %dma_start3A_101 = arith.constant 0 : i32
      %dma_start3A_102 = tpu.memref_slice %arg8[%dma_start3A_98, %dma_start3A_100, %dma_start3A_101] : memref<2x1000x32xf32, #tpu.memory_space<vmem>> -> memref<1x1000x32xf32, #tpu.memory_space<vmem>>
      %dma_start3A_103 = tpu.memref_squeeze %dma_start3A_102 : memref<1x1000x32xf32, #tpu.memory_space<vmem>> -> memref<1000x32xf32, #tpu.memory_space<vmem>>
      %dma_start3A_104 = arith.constant 0 : i32
      %dma_start3A_105 = tpu.memref_slice %arg7[%dma_start3A_99, %dma_start3A_104] : memref<2x1000xi32, #tpu.memory_space<vmem>> -> memref<1x1000xi32, #tpu.memory_space<vmem>>
      %dma_start3A_106 = tpu.memref_squeeze %dma_start3A_105 : memref<1x1000xi32, #tpu.memory_space<vmem>> -> memref<1000xi32, #tpu.memory_space<vmem>>
      %dma_start3A_107 = arith.constant 0 : i32
      %dma_start3A_108 = arith.constant 0 : i32
      %dma_start3A_109 = tpu.memref_slice %arg10[%dma_start3A_107, %dma_start3A_108] : memref<10008x32xf32, #tpu.memory_space<vmem_shared>> -> memref<10008x32xf32, #tpu.memory_space<vmem_shared>>
      tpu.enqueue_indirect_dma source(%dma_start3A_103 : memref<1000x32xf32, #tpu.memory_space<vmem>>) target(%dma_start3A_109 : memref<10008x32xf32, #tpu.memory_space<vmem_shared>>) offsets(%dma_start3A_106 : memref<1000xi32, #tpu.memory_space<vmem>>) semaphore(%arg12 : memref<!tpu.dma_semaphore, #tpu.memory_space<semaphore_mem>>) {add = true}
      %dma_start3A_110 = arith.constant 1 : i32
      %dma_start3A_111 = arith.constant 1 : i32
      %dma_start3A_112 = arith.constant 0 : i32
      %dma_start3A_113 = arith.constant 0 : i32
      %dma_start3A_114 = tpu.memref_slice %arg8[%dma_start3A_111, %dma_start3A_112, %dma_start3A_113] : memref<2x1000x32xf32, #tpu.memory_space<vmem>> -> memref<1x1000x32xf32, #tpu.memory_space<vmem>>
      %dma_start3A_115 = tpu.memref_squeeze %dma_start3A_114 : memref<1x1000x32xf32, #tpu.memory_space<vmem>> -> memref<1000x32xf32, #tpu.memory_space<vmem>>
      %dma_start3A_116 = arith.constant 0 : i32
      %dma_start3A_117 = tpu.memref_slice %arg6[%dma_start3A_110, %dma_start3A_116] : memref<2x1000xi32, #tpu.memory_space<vmem>> -> memref<1x1000xi32, #tpu.memory_space<vmem>>
      %dma_start3A_118 = tpu.memref_squeeze %dma_start3A_117 : memref<1x1000xi32, #tpu.memory_space<vmem>> -> memref<1000xi32, #tpu.memory_space<vmem>>
      %dma_start3A_119 = arith.constant 0 : i32
      %dma_start3A_120 = arith.constant 0 : i32
      %dma_start3A_121 = tpu.memref_slice %arg9[%dma_start3A_119, %dma_start3A_120] : memref<10008x32xf32, #tpu.memory_space<vmem_shared>> -> memref<10008x32xf32, #tpu.memory_space<vmem_shared>>
      tpu.enqueue_indirect_dma source(%dma_start3A_121 : memref<10008x32xf32, #tpu.memory_space<vmem_shared>>) target(%dma_start3A_115 : memref<1000x32xf32, #tpu.memory_space<vmem>>) offsets(%dma_start3A_118 : memref<1000xi32, #tpu.memory_space<vmem>>) semaphore(%arg11 : memref<!tpu.dma_semaphore, #tpu.memory_space<semaphore_mem>>)
      %dma_wait3A_122 = arith.constant 1 : i32
      %dma_wait3A_123 = arith.constant 1 : i32
      %dma_wait3A_124 = arith.constant 0 : i32
      %dma_wait3A_125 = arith.constant 0 : i32
      %dma_wait3A_126 = tpu.memref_slice %arg8[%dma_wait3A_123, %dma_wait3A_124, %dma_wait3A_125] : memref<2x1000x32xf32, #tpu.memory_space<vmem>> -> memref<1x1000x32xf32, #tpu.memory_space<vmem>>
      %dma_wait3A_127 = tpu.memref_squeeze %dma_wait3A_126 : memref<1x1000x32xf32, #tpu.memory_space<vmem>> -> memref<1000x32xf32, #tpu.memory_space<vmem>>
      %dma_wait3A_128 = arith.constant 0 : i32
      %dma_wait3A_129 = tpu.memref_slice %arg6[%dma_wait3A_122, %dma_wait3A_128] : memref<2x1000xi32, #tpu.memory_space<vmem>> -> memref<1x1000xi32, #tpu.memory_space<vmem>>
      %dma_wait3A_130 = tpu.memref_squeeze %dma_wait3A_129 : memref<1x1000xi32, #tpu.memory_space<vmem>> -> memref<1000xi32, #tpu.memory_space<vmem>>
      %dma_wait3A_131 = arith.constant 0 : i32
      %dma_wait3A_132 = arith.constant 0 : i32
      %dma_wait3A_133 = tpu.memref_slice %arg9[%dma_wait3A_131, %dma_wait3A_132] : memref<10008x32xf32, #tpu.memory_space<vmem_shared>> -> memref<10008x32xf32, #tpu.memory_space<vmem_shared>>
      tpu.wait_indirect_dma semaphore(%arg11 : memref<!tpu.dma_semaphore, #tpu.memory_space<semaphore_mem>>) src(%dma_wait3A_133 : memref<10008x32xf32, #tpu.memory_space<vmem_shared>>) dst(%dma_wait3A_127 : memref<1000x32xf32, #tpu.memory_space<vmem>>)
      %dma_start3A_134 = arith.constant 1 : i32
      %dma_start3A_135 = arith.constant 1 : i32
      %dma_start3A_136 = arith.constant 0 : i32
      %dma_start3A_137 = arith.constant 0 : i32
      %dma_start3A_138 = tpu.memref_slice %arg8[%dma_start3A_134, %dma_start3A_136, %dma_start3A_137] : memref<2x1000x32xf32, #tpu.memory_space<vmem>> -> memref<1x1000x32xf32, #tpu.memory_space<vmem>>
      %dma_start3A_139 = tpu.memref_squeeze %dma_start3A_138 : memref<1x1000x32xf32, #tpu.memory_space<vmem>> -> memref<1000x32xf32, #tpu.memory_space<vmem>>
      %dma_start3A_140 = arith.constant 0 : i32
      %dma_start3A_141 = tpu.memref_slice %arg7[%dma_start3A_135, %dma_start3A_140] : memref<2x1000xi32, #tpu.memory_space<vmem>> -> memref<1x1000xi32, #tpu.memory_space<vmem>>
      %dma_start3A_142 = tpu.memref_squeeze %dma_start3A_141 : memref<1x1000xi32, #tpu.memory_space<vmem>> -> memref<1000xi32, #tpu.memory_space<vmem>>
      %dma_start3A_143 = arith.constant 0 : i32
      %dma_start3A_144 = arith.constant 0 : i32
      %dma_start3A_145 = tpu.memref_slice %arg10[%dma_start3A_143, %dma_start3A_144] : memref<10008x32xf32, #tpu.memory_space<vmem_shared>> -> memref<10008x32xf32, #tpu.memory_space<vmem_shared>>
      tpu.enqueue_indirect_dma source(%dma_start3A_139 : memref<1000x32xf32, #tpu.memory_space<vmem>>) target(%dma_start3A_145 : memref<10008x32xf32, #tpu.memory_space<vmem_shared>>) offsets(%dma_start3A_142 : memref<1000xi32, #tpu.memory_space<vmem>>) semaphore(%arg12 : memref<!tpu.dma_semaphore, #tpu.memory_space<semaphore_mem>>) {add = true}
      %dma_wait3A_146 = arith.constant 0 : i32
      %dma_wait3A_147 = arith.constant 0 : i32
      %dma_wait3A_148 = arith.constant 0 : i32
      %dma_wait3A_149 = arith.constant 0 : i32
      %dma_wait3A_150 = tpu.memref_slice %arg8[%dma_wait3A_146, %dma_wait3A_148, %dma_wait3A_149] : memref<2x1000x32xf32, #tpu.memory_space<vmem>> -> memref<1x1000x32xf32, #tpu.memory_space<vmem>>
      %dma_wait3A_151 = tpu.memref_squeeze %dma_wait3A_150 : memref<1x1000x32xf32, #tpu.memory_space<vmem>> -> memref<1000x32xf32, #tpu.memory_space<vmem>>
      %dma_wait3A_152 = arith.constant 0 : i32
      %dma_wait3A_153 = tpu.memref_slice %arg7[%dma_wait3A_147, %dma_wait3A_152] : memref<2x1000xi32, #tpu.memory_space<vmem>> -> memref<1x1000xi32, #tpu.memory_space<vmem>>
      %dma_wait3A_154 = tpu.memref_squeeze %dma_wait3A_153 : memref<1x1000xi32, #tpu.memory_space<vmem>> -> memref<1000xi32, #tpu.memory_space<vmem>>
      %dma_wait3A_155 = arith.constant 0 : i32
      %dma_wait3A_156 = arith.constant 0 : i32
      %dma_wait3A_157 = tpu.memref_slice %arg10[%dma_wait3A_155, %dma_wait3A_156] : memref<10008x32xf32, #tpu.memory_space<vmem_shared>> -> memref<10008x32xf32, #tpu.memory_space<vmem_shared>>
      tpu.wait_indirect_dma semaphore(%arg12 : memref<!tpu.dma_semaphore, #tpu.memory_space<semaphore_mem>>) src(%dma_wait3A_151 : memref<1000x32xf32, #tpu.memory_space<vmem>>) dst(%dma_wait3A_157 : memref<10008x32xf32, #tpu.memory_space<vmem_shared>>)
      %dma_wait3A_158 = arith.constant 1 : i32
      %dma_wait3A_159 = arith.constant 1 : i32
      %dma_wait3A_160 = arith.constant 0 : i32
      %dma_wait3A_161 = arith.constant 0 : i32
      %dma_wait3A_162 = tpu.memref_slice %arg8[%dma_wait3A_158, %dma_wait3A_160, %dma_wait3A_161] : memref<2x1000x32xf32, #tpu.memory_space<vmem>> -> memref<1x1000x32xf32, #tpu.memory_space<vmem>>
      %dma_wait3A_163 = tpu.memref_squeeze %dma_wait3A_162 : memref<1x1000x32xf32, #tpu.memory_space<vmem>> -> memref<1000x32xf32, #tpu.memory_space<vmem>>
      %dma_wait3A_164 = arith.constant 0 : i32
      %dma_wait3A_165 = tpu.memref_slice %arg7[%dma_wait3A_159, %dma_wait3A_164] : memref<2x1000xi32, #tpu.memory_space<vmem>> -> memref<1x1000xi32, #tpu.memory_space<vmem>>
      %dma_wait3A_166 = tpu.memref_squeeze %dma_wait3A_165 : memref<1x1000xi32, #tpu.memory_space<vmem>> -> memref<1000xi32, #tpu.memory_space<vmem>>
      %dma_wait3A_167 = arith.constant 0 : i32
      %dma_wait3A_168 = arith.constant 0 : i32
      %dma_wait3A_169 = tpu.memref_slice %arg10[%dma_wait3A_167, %dma_wait3A_168] : memref<10008x32xf32, #tpu.memory_space<vmem_shared>> -> memref<10008x32xf32, #tpu.memory_space<vmem_shared>>
      tpu.wait_indirect_dma semaphore(%arg12 : memref<!tpu.dma_semaphore, #tpu.memory_space<semaphore_mem>>) src(%dma_wait3A_163 : memref<1000x32xf32, #tpu.memory_space<vmem>>) dst(%dma_wait3A_169 : memref<10008x32xf32, #tpu.memory_space<vmem_shared>>)
    }
    %scan3A_20 = arith.constant 10 : i32
    %barrier3A_21 = arith.constant 0 : index
    tpu.barrier barrier_id(%barrier3A_21)
    %lt3A_22 = arith.constant 15 : i32
    %lt3A_23 = arith.cmpi slt, %arg1, %lt3A_22 : i32
    %convert_element_type3A_24 = arith.extui %lt3A_23 : i1 to i32
    %cond3A_25 = arith.constant 0 : i32
    %cond3A_26 = arith.cmpi ne, %convert_element_type3A_24, %cond3A_25 : i32
    scf.if %cond3A_26 {
      "tpu.region"() ({
        %run_scoped3A = tpu.sem_alloc : memref<!tpu.dma_semaphore, #tpu.memory_space<semaphore_mem>>
        %dma_start3A = tpu.memref_slice %arg5[%multiple_of3A, %multiple_of3A_9] : memref<10000x128xf32, #tpu.memory_space<hbm>> -> memref<640x32xf32, #tpu.memory_space<hbm>>
        %dma_start3A_69 = arith.constant 0 : i32
        %dma_start3A_70 = tpu.memref_slice %arg10[%multiple_of3A, %dma_start3A_69] : memref<10008x32xf32, #tpu.memory_space<vmem_shared>> -> memref<640x32xf32, #tpu.memory_space<vmem_shared>>
        tpu.enqueue_dma source(%dma_start3A_70 : memref<640x32xf32, #tpu.memory_space<vmem_shared>>) target(%dma_start3A : memref<640x32xf32, #tpu.memory_space<hbm>>) target_semaphore(%run_scoped3A : memref<!tpu.dma_semaphore, #tpu.memory_space<semaphore_mem>>)
        %dma_wait3A = tpu.memref_slice %arg5[%multiple_of3A, %multiple_of3A_9] : memref<10000x128xf32, #tpu.memory_space<hbm>> -> memref<640x32xf32, #tpu.memory_space<hbm>>
        %dma_wait3A_71 = arith.constant 0 : i32
        %dma_wait3A_72 = tpu.memref_slice %arg10[%multiple_of3A, %dma_wait3A_71] : memref<10008x32xf32, #tpu.memory_space<vmem_shared>> -> memref<640x32xf32, #tpu.memory_space<vmem_shared>>
        tpu.wait_dma2 semaphore(%run_scoped3A : memref<!tpu.dma_semaphore, #tpu.memory_space<semaphore_mem>>) src(%dma_wait3A_72 : memref<640x32xf32, #tpu.memory_space<vmem_shared>>) dst(%dma_wait3A : memref<640x32xf32, #tpu.memory_space<hbm>>)
        tpu.yield
      }) : () -> ()
    } else {
    }
    %eq3A_27 = arith.constant 15 : i32
    %eq3A_28 = arith.cmpi eq, %arg1, %eq3A_27 : i32
    %convert_element_type3A_29 = arith.extui %eq3A_28 : i1 to i32
    %cond3A_30 = arith.constant 0 : i32
    %cond3A_31 = arith.cmpi ne, %convert_element_type3A_29, %cond3A_30 : i32
    scf.if %cond3A_31 {
      "tpu.region"() ({
        %run_scoped3A = tpu.sem_alloc : memref<!tpu.dma_semaphore, #tpu.memory_space<semaphore_mem>>
        %dma_start3A = tpu.memref_slice %arg5[%multiple_of3A, %multiple_of3A_9] : memref<10000x128xf32, #tpu.memory_space<hbm>> -> memref<400x32xf32, #tpu.memory_space<hbm>>
        %dma_start3A_69 = arith.constant 0 : i32
        %dma_start3A_70 = tpu.memref_slice %arg10[%multiple_of3A, %dma_start3A_69] : memref<10008x32xf32, #tpu.memory_space<vmem_shared>> -> memref<400x32xf32, #tpu.memory_space<vmem_shared>>
        tpu.enqueue_dma source(%dma_start3A_70 : memref<400x32xf32, #tpu.memory_space<vmem_shared>>) target(%dma_start3A : memref<400x32xf32, #tpu.memory_space<hbm>>) target_semaphore(%run_scoped3A : memref<!tpu.dma_semaphore, #tpu.memory_space<semaphore_mem>>)
        %dma_wait3A = tpu.memref_slice %arg5[%multiple_of3A, %multiple_of3A_9] : memref<10000x128xf32, #tpu.memory_space<hbm>> -> memref<400x32xf32, #tpu.memory_space<hbm>>
        %dma_wait3A_71 = arith.constant 0 : i32
        %dma_wait3A_72 = tpu.memref_slice %arg10[%multiple_of3A, %dma_wait3A_71] : memref<10008x32xf32, #tpu.memory_space<vmem_shared>> -> memref<400x32xf32, #tpu.memory_space<vmem_shared>>
        tpu.wait_dma2 semaphore(%run_scoped3A : memref<!tpu.dma_semaphore, #tpu.memory_space<semaphore_mem>>) src(%dma_wait3A_72 : memref<400x32xf32, #tpu.memory_space<vmem_shared>>) dst(%dma_wait3A : memref<400x32xf32, #tpu.memory_space<hbm>>)
        tpu.yield
      }) : () -> ()
    } else {
    }
    %barrier3A_32 = arith.constant 0 : index
    tpu.barrier barrier_id(%barrier3A_32)
    %mul3A_33 = arith.constant 2 : i32
    %mul3A_34 = arith.muli %arg0, %mul3A_33 : i32
    %add3A_35 = arith.constant 1 : i32
    %add3A_36 = arith.addi %mul3A_34, %add3A_35 : i32
    %mul3A_37 = arith.constant 32 : i32
    %mul3A_38 = arith.muli %add3A_36, %mul3A_37 : i32
    %multiple_of3A_39 = tpu.assume_multiple %mul3A_38, 8 : i32
    %lt3A_40 = arith.constant 15 : i32
    %lt3A_41 = arith.cmpi slt, %arg1, %lt3A_40 : i32
    %convert_element_type3A_42 = arith.extui %lt3A_41 : i1 to i32
    %cond3A_43 = arith.constant 0 : i32
    %cond3A_44 = arith.cmpi ne, %convert_element_type3A_42, %cond3A_43 : i32
    scf.if %cond3A_44 {
      "tpu.region"() ({
        %run_scoped3A = tpu.sem_alloc : memref<!tpu.dma_semaphore, #tpu.memory_space<semaphore_mem>>
        %dma_start3A = arith.constant 0 : i32
        %dma_start3A_69 = tpu.memref_slice %arg9[%multiple_of3A, %dma_start3A] : memref<10008x32xf32, #tpu.memory_space<vmem_shared>> -> memref<640x32xf32, #tpu.memory_space<vmem_shared>>
        %dma_start3A_70 = tpu.memref_slice %arg2[%multiple_of3A, %multiple_of3A_39] : memref<10000x128xf32, #tpu.memory_space<hbm>> -> memref<640x32xf32, #tpu.memory_space<hbm>>
        tpu.enqueue_dma source(%dma_start3A_70 : memref<640x32xf32, #tpu.memory_space<hbm>>) target(%dma_start3A_69 : memref<640x32xf32, #tpu.memory_space<vmem_shared>>) target_semaphore(%run_scoped3A : memref<!tpu.dma_semaphore, #tpu.memory_space<semaphore_mem>>)
        %dma_wait3A = arith.constant 0 : i32
        %dma_wait3A_71 = tpu.memref_slice %arg9[%multiple_of3A, %dma_wait3A] : memref<10008x32xf32, #tpu.memory_space<vmem_shared>> -> memref<640x32xf32, #tpu.memory_space<vmem_shared>>
        %dma_wait3A_72 = tpu.memref_slice %arg2[%multiple_of3A, %multiple_of3A_39] : memref<10000x128xf32, #tpu.memory_space<hbm>> -> memref<640x32xf32, #tpu.memory_space<hbm>>
        tpu.wait_dma2 semaphore(%run_scoped3A : memref<!tpu.dma_semaphore, #tpu.memory_space<semaphore_mem>>) src(%dma_wait3A_72 : memref<640x32xf32, #tpu.memory_space<hbm>>) dst(%dma_wait3A_71 : memref<640x32xf32, #tpu.memory_space<vmem_shared>>)
        tpu.yield
      }) : () -> ()
      "tpu.region"() ({
        %run_scoped3A = tpu.sem_alloc : memref<!tpu.dma_semaphore, #tpu.memory_space<semaphore_mem>>
        %dma_start3A = arith.constant 0 : i32
        %dma_start3A_69 = tpu.memref_slice %arg10[%multiple_of3A, %dma_start3A] : memref<10008x32xf32, #tpu.memory_space<vmem_shared>> -> memref<640x32xf32, #tpu.memory_space<vmem_shared>>
        %dma_start3A_70 = tpu.memref_slice %arg2[%multiple_of3A, %multiple_of3A_39] : memref<10000x128xf32, #tpu.memory_space<hbm>> -> memref<640x32xf32, #tpu.memory_space<hbm>>
        tpu.enqueue_dma source(%dma_start3A_70 : memref<640x32xf32, #tpu.memory_space<hbm>>) target(%dma_start3A_69 : memref<640x32xf32, #tpu.memory_space<vmem_shared>>) target_semaphore(%run_scoped3A : memref<!tpu.dma_semaphore, #tpu.memory_space<semaphore_mem>>)
        %dma_wait3A = arith.constant 0 : i32
        %dma_wait3A_71 = tpu.memref_slice %arg10[%multiple_of3A, %dma_wait3A] : memref<10008x32xf32, #tpu.memory_space<vmem_shared>> -> memref<640x32xf32, #tpu.memory_space<vmem_shared>>
        %dma_wait3A_72 = tpu.memref_slice %arg2[%multiple_of3A, %multiple_of3A_39] : memref<10000x128xf32, #tpu.memory_space<hbm>> -> memref<640x32xf32, #tpu.memory_space<hbm>>
        tpu.wait_dma2 semaphore(%run_scoped3A : memref<!tpu.dma_semaphore, #tpu.memory_space<semaphore_mem>>) src(%dma_wait3A_72 : memref<640x32xf32, #tpu.memory_space<hbm>>) dst(%dma_wait3A_71 : memref<640x32xf32, #tpu.memory_space<vmem_shared>>)
        tpu.yield
      }) : () -> ()
    } else {
    }
    %eq3A_45 = arith.constant 15 : i32
    %eq3A_46 = arith.cmpi eq, %arg1, %eq3A_45 : i32
    %convert_element_type3A_47 = arith.extui %eq3A_46 : i1 to i32
    %cond3A_48 = arith.constant 0 : i32
    %cond3A_49 = arith.cmpi ne, %convert_element_type3A_47, %cond3A_48 : i32
    scf.if %cond3A_49 {
      "tpu.region"() ({
        %run_scoped3A = tpu.sem_alloc : memref<!tpu.dma_semaphore, #tpu.memory_space<semaphore_mem>>
        %dma_start3A = arith.constant 0 : i32
        %dma_start3A_69 = tpu.memref_slice %arg9[%multiple_of3A, %dma_start3A] : memref<10008x32xf32, #tpu.memory_space<vmem_shared>> -> memref<400x32xf32, #tpu.memory_space<vmem_shared>>
        %dma_start3A_70 = tpu.memref_slice %arg2[%multiple_of3A, %multiple_of3A_39] : memref<10000x128xf32, #tpu.memory_space<hbm>> -> memref<400x32xf32, #tpu.memory_space<hbm>>
        tpu.enqueue_dma source(%dma_start3A_70 : memref<400x32xf32, #tpu.memory_space<hbm>>) target(%dma_start3A_69 : memref<400x32xf32, #tpu.memory_space<vmem_shared>>) target_semaphore(%run_scoped3A : memref<!tpu.dma_semaphore, #tpu.memory_space<semaphore_mem>>)
        %dma_wait3A = arith.constant 0 : i32
        %dma_wait3A_71 = tpu.memref_slice %arg9[%multiple_of3A, %dma_wait3A] : memref<10008x32xf32, #tpu.memory_space<vmem_shared>> -> memref<400x32xf32, #tpu.memory_space<vmem_shared>>
        %dma_wait3A_72 = tpu.memref_slice %arg2[%multiple_of3A, %multiple_of3A_39] : memref<10000x128xf32, #tpu.memory_space<hbm>> -> memref<400x32xf32, #tpu.memory_space<hbm>>
        tpu.wait_dma2 semaphore(%run_scoped3A : memref<!tpu.dma_semaphore, #tpu.memory_space<semaphore_mem>>) src(%dma_wait3A_72 : memref<400x32xf32, #tpu.memory_space<hbm>>) dst(%dma_wait3A_71 : memref<400x32xf32, #tpu.memory_space<vmem_shared>>)
        tpu.yield
      }) : () -> ()
      "tpu.region"() ({
        %run_scoped3A = tpu.sem_alloc : memref<!tpu.dma_semaphore, #tpu.memory_space<semaphore_mem>>
        %dma_start3A = arith.constant 0 : i32
        %dma_start3A_69 = tpu.memref_slice %arg10[%multiple_of3A, %dma_start3A] : memref<10008x32xf32, #tpu.memory_space<vmem_shared>> -> memref<400x32xf32, #tpu.memory_space<vmem_shared>>
        %dma_start3A_70 = tpu.memref_slice %arg2[%multiple_of3A, %multiple_of3A_39] : memref<10000x128xf32, #tpu.memory_space<hbm>> -> memref<400x32xf32, #tpu.memory_space<hbm>>
        tpu.enqueue_dma source(%dma_start3A_70 : memref<400x32xf32, #tpu.memory_space<hbm>>) target(%dma_start3A_69 : memref<400x32xf32, #tpu.memory_space<vmem_shared>>) target_semaphore(%run_scoped3A : memref<!tpu.dma_semaphore, #tpu.memory_space<semaphore_mem>>)
        %dma_wait3A = arith.constant 0 : i32
        %dma_wait3A_71 = tpu.memref_slice %arg10[%multiple_of3A, %dma_wait3A] : memref<10008x32xf32, #tpu.memory_space<vmem_shared>> -> memref<400x32xf32, #tpu.memory_space<vmem_shared>>
        %dma_wait3A_72 = tpu.memref_slice %arg2[%multiple_of3A, %multiple_of3A_39] : memref<10000x128xf32, #tpu.memory_space<hbm>> -> memref<400x32xf32, #tpu.memory_space<hbm>>
        tpu.wait_dma2 semaphore(%run_scoped3A : memref<!tpu.dma_semaphore, #tpu.memory_space<semaphore_mem>>) src(%dma_wait3A_72 : memref<400x32xf32, #tpu.memory_space<hbm>>) dst(%dma_wait3A_71 : memref<400x32xf32, #tpu.memory_space<vmem_shared>>)
        tpu.yield
      }) : () -> ()
    } else {
    }
    %barrier3A_50 = arith.constant 0 : index
    tpu.barrier barrier_id(%barrier3A_50)
    %scan3A_51 = arith.constant 0 : i32
    %scan3A_52 = arith.constant 0 : i32
    %scan3A_53 = arith.constant 10 : i32
    %scan3A_54 = arith.addi %scan3A_52, %scan3A_53 : i32
    %scan3A_55 = arith.constant 1 : i32
    scf.for %scan3A_69 = %scan3A_52 to %scan3A_54 step %scan3A_55  : i32 {
      %mul3A_70 = arith.constant 2 : i32
      %mul3A_71 = arith.muli %scan3A_69, %mul3A_70 : i32
      %add3A_72 = arith.addi %multiple_of3A_3, %mul3A_71 : i32
      "tpu.region"() ({
        %run_scoped3A = tpu.sem_alloc : memref<!tpu.dma_semaphore, #tpu.memory_space<semaphore_mem>>
        %dma_start3A_170 = arith.constant 0 : i32
        %dma_start3A_171 = tpu.memref_slice %arg3[%add3A_72, %dma_start3A_170] : memref<320x1000xi32, #tpu.memory_space<hbm>> -> memref<2x1000xi32, #tpu.memory_space<hbm>>
        %dma_start3A_172 = arith.constant 0 : i32
        %dma_start3A_173 = tpu.memref_slice %arg3[%add3A_72, %dma_start3A_172] : memref<320x1000xi32, #tpu.memory_space<hbm>> -> memref<2x1000xi32, #tpu.memory_space<hbm>>
        tpu.enqueue_dma source(%dma_start3A_173 : memref<2x1000xi32, #tpu.memory_space<hbm>>) target(%arg6 : memref<2x1000xi32, #tpu.memory_space<vmem>>) target_semaphore(%run_scoped3A : memref<!tpu.dma_semaphore, #tpu.memory_space<semaphore_mem>>)
        %dma_wait3A_174 = arith.constant 0 : i32
        %dma_wait3A_175 = tpu.memref_slice %arg3[%add3A_72, %dma_wait3A_174] : memref<320x1000xi32, #tpu.memory_space<hbm>> -> memref<2x1000xi32, #tpu.memory_space<hbm>>
        %dma_wait3A_176 = arith.constant 0 : i32
        %dma_wait3A_177 = tpu.memref_slice %arg3[%add3A_72, %dma_wait3A_176] : memref<320x1000xi32, #tpu.memory_space<hbm>> -> memref<2x1000xi32, #tpu.memory_space<hbm>>
        tpu.wait_dma2 semaphore(%run_scoped3A : memref<!tpu.dma_semaphore, #tpu.memory_space<semaphore_mem>>) src(%dma_wait3A_177 : memref<2x1000xi32, #tpu.memory_space<hbm>>) dst(%arg6 : memref<2x1000xi32, #tpu.memory_space<vmem>>)
        tpu.yield
      }) : () -> ()
      %mul3A_73 = arith.constant 2 : i32
      %mul3A_74 = arith.muli %scan3A_69, %mul3A_73 : i32
      %add3A_75 = arith.addi %multiple_of3A_3, %mul3A_74 : i32
      "tpu.region"() ({
        %run_scoped3A = tpu.sem_alloc : memref<!tpu.dma_semaphore, #tpu.memory_space<semaphore_mem>>
        %dma_start3A_170 = arith.constant 0 : i32
        %dma_start3A_171 = tpu.memref_slice %arg4[%add3A_75, %dma_start3A_170] : memref<320x1000xi32, #tpu.memory_space<hbm>> -> memref<2x1000xi32, #tpu.memory_space<hbm>>
        %dma_start3A_172 = arith.constant 0 : i32
        %dma_start3A_173 = tpu.memref_slice %arg4[%add3A_75, %dma_start3A_172] : memref<320x1000xi32, #tpu.memory_space<hbm>> -> memref<2x1000xi32, #tpu.memory_space<hbm>>
        tpu.enqueue_dma source(%dma_start3A_173 : memref<2x1000xi32, #tpu.memory_space<hbm>>) target(%arg7 : memref<2x1000xi32, #tpu.memory_space<vmem>>) target_semaphore(%run_scoped3A : memref<!tpu.dma_semaphore, #tpu.memory_space<semaphore_mem>>)
        %dma_wait3A_174 = arith.constant 0 : i32
        %dma_wait3A_175 = tpu.memref_slice %arg4[%add3A_75, %dma_wait3A_174] : memref<320x1000xi32, #tpu.memory_space<hbm>> -> memref<2x1000xi32, #tpu.memory_space<hbm>>
        %dma_wait3A_176 = arith.constant 0 : i32
        %dma_wait3A_177 = tpu.memref_slice %arg4[%add3A_75, %dma_wait3A_176] : memref<320x1000xi32, #tpu.memory_space<hbm>> -> memref<2x1000xi32, #tpu.memory_space<hbm>>
        tpu.wait_dma2 semaphore(%run_scoped3A : memref<!tpu.dma_semaphore, #tpu.memory_space<semaphore_mem>>) src(%dma_wait3A_177 : memref<2x1000xi32, #tpu.memory_space<hbm>>) dst(%arg7 : memref<2x1000xi32, #tpu.memory_space<vmem>>)
        tpu.yield
      }) : () -> ()
      %dma_start3A = arith.constant 0 : i32
      %dma_start3A_76 = arith.constant 0 : i32
      %dma_start3A_77 = arith.constant 0 : i32
      %dma_start3A_78 = arith.constant 0 : i32
      %dma_start3A_79 = tpu.memref_slice %arg8[%dma_start3A_76, %dma_start3A_77, %dma_start3A_78] : memref<2x1000x32xf32, #tpu.memory_space<vmem>> -> memref<1x1000x32xf32, #tpu.memory_space<vmem>>
      %dma_start3A_80 = tpu.memref_squeeze %dma_start3A_79 : memref<1x1000x32xf32, #tpu.memory_space<vmem>> -> memref<1000x32xf32, #tpu.memory_space<vmem>>
      %dma_start3A_81 = arith.constant 0 : i32
      %dma_start3A_82 = tpu.memref_slice %arg6[%dma_start3A, %dma_start3A_81] : memref<2x1000xi32, #tpu.memory_space<vmem>> -> memref<1x1000xi32, #tpu.memory_space<vmem>>
      %dma_start3A_83 = tpu.memref_squeeze %dma_start3A_82 : memref<1x1000xi32, #tpu.memory_space<vmem>> -> memref<1000xi32, #tpu.memory_space<vmem>>
      %dma_start3A_84 = arith.constant 0 : i32
      %dma_start3A_85 = arith.constant 0 : i32
      %dma_start3A_86 = tpu.memref_slice %arg9[%dma_start3A_84, %dma_start3A_85] : memref<10008x32xf32, #tpu.memory_space<vmem_shared>> -> memref<10008x32xf32, #tpu.memory_space<vmem_shared>>
      tpu.enqueue_indirect_dma source(%dma_start3A_86 : memref<10008x32xf32, #tpu.memory_space<vmem_shared>>) target(%dma_start3A_80 : memref<1000x32xf32, #tpu.memory_space<vmem>>) offsets(%dma_start3A_83 : memref<1000xi32, #tpu.memory_space<vmem>>) semaphore(%arg11 : memref<!tpu.dma_semaphore, #tpu.memory_space<semaphore_mem>>)
      %dma_wait3A = arith.constant 0 : i32
      %dma_wait3A_87 = arith.constant 0 : i32
      %dma_wait3A_88 = arith.constant 0 : i32
      %dma_wait3A_89 = arith.constant 0 : i32
      %dma_wait3A_90 = tpu.memref_slice %arg8[%dma_wait3A_87, %dma_wait3A_88, %dma_wait3A_89] : memref<2x1000x32xf32, #tpu.memory_space<vmem>> -> memref<1x1000x32xf32, #tpu.memory_space<vmem>>
      %dma_wait3A_91 = tpu.memref_squeeze %dma_wait3A_90 : memref<1x1000x32xf32, #tpu.memory_space<vmem>> -> memref<1000x32xf32, #tpu.memory_space<vmem>>
      %dma_wait3A_92 = arith.constant 0 : i32
      %dma_wait3A_93 = tpu.memref_slice %arg6[%dma_wait3A, %dma_wait3A_92] : memref<2x1000xi32, #tpu.memory_space<vmem>> -> memref<1x1000xi32, #tpu.memory_space<vmem>>
      %dma_wait3A_94 = tpu.memref_squeeze %dma_wait3A_93 : memref<1x1000xi32, #tpu.memory_space<vmem>> -> memref<1000xi32, #tpu.memory_space<vmem>>
      %dma_wait3A_95 = arith.constant 0 : i32
      %dma_wait3A_96 = arith.constant 0 : i32
      %dma_wait3A_97 = tpu.memref_slice %arg9[%dma_wait3A_95, %dma_wait3A_96] : memref<10008x32xf32, #tpu.memory_space<vmem_shared>> -> memref<10008x32xf32, #tpu.memory_space<vmem_shared>>
      tpu.wait_indirect_dma semaphore(%arg11 : memref<!tpu.dma_semaphore, #tpu.memory_space<semaphore_mem>>) src(%dma_wait3A_97 : memref<10008x32xf32, #tpu.memory_space<vmem_shared>>) dst(%dma_wait3A_91 : memref<1000x32xf32, #tpu.memory_space<vmem>>)
      %dma_start3A_98 = arith.constant 0 : i32
      %dma_start3A_99 = arith.constant 0 : i32
      %dma_start3A_100 = arith.constant 0 : i32
      %dma_start3A_101 = arith.constant 0 : i32
      %dma_start3A_102 = tpu.memref_slice %arg8[%dma_start3A_98, %dma_start3A_100, %dma_start3A_101] : memref<2x1000x32xf32, #tpu.memory_space<vmem>> -> memref<1x1000x32xf32, #tpu.memory_space<vmem>>
      %dma_start3A_103 = tpu.memref_squeeze %dma_start3A_102 : memref<1x1000x32xf32, #tpu.memory_space<vmem>> -> memref<1000x32xf32, #tpu.memory_space<vmem>>
      %dma_start3A_104 = arith.constant 0 : i32
      %dma_start3A_105 = tpu.memref_slice %arg7[%dma_start3A_99, %dma_start3A_104] : memref<2x1000xi32, #tpu.memory_space<vmem>> -> memref<1x1000xi32, #tpu.memory_space<vmem>>
      %dma_start3A_106 = tpu.memref_squeeze %dma_start3A_105 : memref<1x1000xi32, #tpu.memory_space<vmem>> -> memref<1000xi32, #tpu.memory_space<vmem>>
      %dma_start3A_107 = arith.constant 0 : i32
      %dma_start3A_108 = arith.constant 0 : i32
      %dma_start3A_109 = tpu.memref_slice %arg10[%dma_start3A_107, %dma_start3A_108] : memref<10008x32xf32, #tpu.memory_space<vmem_shared>> -> memref<10008x32xf32, #tpu.memory_space<vmem_shared>>
      tpu.enqueue_indirect_dma source(%dma_start3A_103 : memref<1000x32xf32, #tpu.memory_space<vmem>>) target(%dma_start3A_109 : memref<10008x32xf32, #tpu.memory_space<vmem_shared>>) offsets(%dma_start3A_106 : memref<1000xi32, #tpu.memory_space<vmem>>) semaphore(%arg12 : memref<!tpu.dma_semaphore, #tpu.memory_space<semaphore_mem>>) {add = true}
      %dma_start3A_110 = arith.constant 1 : i32
      %dma_start3A_111 = arith.constant 1 : i32
      %dma_start3A_112 = arith.constant 0 : i32
      %dma_start3A_113 = arith.constant 0 : i32
      %dma_start3A_114 = tpu.memref_slice %arg8[%dma_start3A_111, %dma_start3A_112, %dma_start3A_113] : memref<2x1000x32xf32, #tpu.memory_space<vmem>> -> memref<1x1000x32xf32, #tpu.memory_space<vmem>>
      %dma_start3A_115 = tpu.memref_squeeze %dma_start3A_114 : memref<1x1000x32xf32, #tpu.memory_space<vmem>> -> memref<1000x32xf32, #tpu.memory_space<vmem>>
      %dma_start3A_116 = arith.constant 0 : i32
      %dma_start3A_117 = tpu.memref_slice %arg6[%dma_start3A_110, %dma_start3A_116] : memref<2x1000xi32, #tpu.memory_space<vmem>> -> memref<1x1000xi32, #tpu.memory_space<vmem>>
      %dma_start3A_118 = tpu.memref_squeeze %dma_start3A_117 : memref<1x1000xi32, #tpu.memory_space<vmem>> -> memref<1000xi32, #tpu.memory_space<vmem>>
      %dma_start3A_119 = arith.constant 0 : i32
      %dma_start3A_120 = arith.constant 0 : i32
      %dma_start3A_121 = tpu.memref_slice %arg9[%dma_start3A_119, %dma_start3A_120] : memref<10008x32xf32, #tpu.memory_space<vmem_shared>> -> memref<10008x32xf32, #tpu.memory_space<vmem_shared>>
      tpu.enqueue_indirect_dma source(%dma_start3A_121 : memref<10008x32xf32, #tpu.memory_space<vmem_shared>>) target(%dma_start3A_115 : memref<1000x32xf32, #tpu.memory_space<vmem>>) offsets(%dma_start3A_118 : memref<1000xi32, #tpu.memory_space<vmem>>) semaphore(%arg11 : memref<!tpu.dma_semaphore, #tpu.memory_space<semaphore_mem>>)
      %dma_wait3A_122 = arith.constant 1 : i32
      %dma_wait3A_123 = arith.constant 1 : i32
      %dma_wait3A_124 = arith.constant 0 : i32
      %dma_wait3A_125 = arith.constant 0 : i32
      %dma_wait3A_126 = tpu.memref_slice %arg8[%dma_wait3A_123, %dma_wait3A_124, %dma_wait3A_125] : memref<2x1000x32xf32, #tpu.memory_space<vmem>> -> memref<1x1000x32xf32, #tpu.memory_space<vmem>>
      %dma_wait3A_127 = tpu.memref_squeeze %dma_wait3A_126 : memref<1x1000x32xf32, #tpu.memory_space<vmem>> -> memref<1000x32xf32, #tpu.memory_space<vmem>>
      %dma_wait3A_128 = arith.constant 0 : i32
      %dma_wait3A_129 = tpu.memref_slice %arg6[%dma_wait3A_122, %dma_wait3A_128] : memref<2x1000xi32, #tpu.memory_space<vmem>> -> memref<1x1000xi32, #tpu.memory_space<vmem>>
      %dma_wait3A_130 = tpu.memref_squeeze %dma_wait3A_129 : memref<1x1000xi32, #tpu.memory_space<vmem>> -> memref<1000xi32, #tpu.memory_space<vmem>>
      %dma_wait3A_131 = arith.constant 0 : i32
      %dma_wait3A_132 = arith.constant 0 : i32
      %dma_wait3A_133 = tpu.memref_slice %arg9[%dma_wait3A_131, %dma_wait3A_132] : memref<10008x32xf32, #tpu.memory_space<vmem_shared>> -> memref<10008x32xf32, #tpu.memory_space<vmem_shared>>
      tpu.wait_indirect_dma semaphore(%arg11 : memref<!tpu.dma_semaphore, #tpu.memory_space<semaphore_mem>>) src(%dma_wait3A_133 : memref<10008x32xf32, #tpu.memory_space<vmem_shared>>) dst(%dma_wait3A_127 : memref<1000x32xf32, #tpu.memory_space<vmem>>)
      %dma_start3A_134 = arith.constant 1 : i32
      %dma_start3A_135 = arith.constant 1 : i32
      %dma_start3A_136 = arith.constant 0 : i32
      %dma_start3A_137 = arith.constant 0 : i32
      %dma_start3A_138 = tpu.memref_slice %arg8[%dma_start3A_134, %dma_start3A_136, %dma_start3A_137] : memref<2x1000x32xf32, #tpu.memory_space<vmem>> -> memref<1x1000x32xf32, #tpu.memory_space<vmem>>
      %dma_start3A_139 = tpu.memref_squeeze %dma_start3A_138 : memref<1x1000x32xf32, #tpu.memory_space<vmem>> -> memref<1000x32xf32, #tpu.memory_space<vmem>>
      %dma_start3A_140 = arith.constant 0 : i32
      %dma_start3A_141 = tpu.memref_slice %arg7[%dma_start3A_135, %dma_start3A_140] : memref<2x1000xi32, #tpu.memory_space<vmem>> -> memref<1x1000xi32, #tpu.memory_space<vmem>>
      %dma_start3A_142 = tpu.memref_squeeze %dma_start3A_141 : memref<1x1000xi32, #tpu.memory_space<vmem>> -> memref<1000xi32, #tpu.memory_space<vmem>>
      %dma_start3A_143 = arith.constant 0 : i32
      %dma_start3A_144 = arith.constant 0 : i32
      %dma_start3A_145 = tpu.memref_slice %arg10[%dma_start3A_143, %dma_start3A_144] : memref<10008x32xf32, #tpu.memory_space<vmem_shared>> -> memref<10008x32xf32, #tpu.memory_space<vmem_shared>>
      tpu.enqueue_indirect_dma source(%dma_start3A_139 : memref<1000x32xf32, #tpu.memory_space<vmem>>) target(%dma_start3A_145 : memref<10008x32xf32, #tpu.memory_space<vmem_shared>>) offsets(%dma_start3A_142 : memref<1000xi32, #tpu.memory_space<vmem>>) semaphore(%arg12 : memref<!tpu.dma_semaphore, #tpu.memory_space<semaphore_mem>>) {add = true}
      %dma_wait3A_146 = arith.constant 0 : i32
      %dma_wait3A_147 = arith.constant 0 : i32
      %dma_wait3A_148 = arith.constant 0 : i32
      %dma_wait3A_149 = arith.constant 0 : i32
      %dma_wait3A_150 = tpu.memref_slice %arg8[%dma_wait3A_146, %dma_wait3A_148, %dma_wait3A_149] : memref<2x1000x32xf32, #tpu.memory_space<vmem>> -> memref<1x1000x32xf32, #tpu.memory_space<vmem>>
      %dma_wait3A_151 = tpu.memref_squeeze %dma_wait3A_150 : memref<1x1000x32xf32, #tpu.memory_space<vmem>> -> memref<1000x32xf32, #tpu.memory_space<vmem>>
      %dma_wait3A_152 = arith.constant 0 : i32
      %dma_wait3A_153 = tpu.memref_slice %arg7[%dma_wait3A_147, %dma_wait3A_152] : memref<2x1000xi32, #tpu.memory_space<vmem>> -> memref<1x1000xi32, #tpu.memory_space<vmem>>
      %dma_wait3A_154 = tpu.memref_squeeze %dma_wait3A_153 : memref<1x1000xi32, #tpu.memory_space<vmem>> -> memref<1000xi32, #tpu.memory_space<vmem>>
      %dma_wait3A_155 = arith.constant 0 : i32
      %dma_wait3A_156 = arith.constant 0 : i32
      %dma_wait3A_157 = tpu.memref_slice %arg10[%dma_wait3A_155, %dma_wait3A_156] : memref<10008x32xf32, #tpu.memory_space<vmem_shared>> -> memref<10008x32xf32, #tpu.memory_space<vmem_shared>>
      tpu.wait_indirect_dma semaphore(%arg12 : memref<!tpu.dma_semaphore, #tpu.memory_space<semaphore_mem>>) src(%dma_wait3A_151 : memref<1000x32xf32, #tpu.memory_space<vmem>>) dst(%dma_wait3A_157 : memref<10008x32xf32, #tpu.memory_space<vmem_shared>>)
      %dma_wait3A_158 = arith.constant 1 : i32
      %dma_wait3A_159 = arith.constant 1 : i32
      %dma_wait3A_160 = arith.constant 0 : i32
      %dma_wait3A_161 = arith.constant 0 : i32
      %dma_wait3A_162 = tpu.memref_slice %arg8[%dma_wait3A_158, %dma_wait3A_160, %dma_wait3A_161] : memref<2x1000x32xf32, #tpu.memory_space<vmem>> -> memref<1x1000x32xf32, #tpu.memory_space<vmem>>
      %dma_wait3A_163 = tpu.memref_squeeze %dma_wait3A_162 : memref<1x1000x32xf32, #tpu.memory_space<vmem>> -> memref<1000x32xf32, #tpu.memory_space<vmem>>
      %dma_wait3A_164 = arith.constant 0 : i32
      %dma_wait3A_165 = tpu.memref_slice %arg7[%dma_wait3A_159, %dma_wait3A_164] : memref<2x1000xi32, #tpu.memory_space<vmem>> -> memref<1x1000xi32, #tpu.memory_space<vmem>>
      %dma_wait3A_166 = tpu.memref_squeeze %dma_wait3A_165 : memref<1x1000xi32, #tpu.memory_space<vmem>> -> memref<1000xi32, #tpu.memory_space<vmem>>
      %dma_wait3A_167 = arith.constant 0 : i32
      %dma_wait3A_168 = arith.constant 0 : i32
      %dma_wait3A_169 = tpu.memref_slice %arg10[%dma_wait3A_167, %dma_wait3A_168] : memref<10008x32xf32, #tpu.memory_space<vmem_shared>> -> memref<10008x32xf32, #tpu.memory_space<vmem_shared>>
      tpu.wait_indirect_dma semaphore(%arg12 : memref<!tpu.dma_semaphore, #tpu.memory_space<semaphore_mem>>) src(%dma_wait3A_163 : memref<1000x32xf32, #tpu.memory_space<vmem>>) dst(%dma_wait3A_169 : memref<10008x32xf32, #tpu.memory_space<vmem_shared>>)
    }
    %scan3A_56 = arith.constant 10 : i32
    %barrier3A_57 = arith.constant 0 : index
    tpu.barrier barrier_id(%barrier3A_57)
    %lt3A_58 = arith.constant 15 : i32
    %lt3A_59 = arith.cmpi slt, %arg1, %lt3A_58 : i32
    %convert_element_type3A_60 = arith.extui %lt3A_59 : i1 to i32
    %cond3A_61 = arith.constant 0 : i32
    %cond3A_62 = arith.cmpi ne, %convert_element_type3A_60, %cond3A_61 : i32
    scf.if %cond3A_62 {
      "tpu.region"() ({
        %run_scoped3A = tpu.sem_alloc : memref<!tpu.dma_semaphore, #tpu.memory_space<semaphore_mem>>
        %dma_start3A = tpu.memref_slice %arg5[%multiple_of3A, %multiple_of3A_39] : memref<10000x128xf32, #tpu.memory_space<hbm>> -> memref<640x32xf32, #tpu.memory_space<hbm>>
        %dma_start3A_69 = arith.constant 0 : i32
        %dma_start3A_70 = tpu.memref_slice %arg10[%multiple_of3A, %dma_start3A_69] : memref<10008x32xf32, #tpu.memory_space<vmem_shared>> -> memref<640x32xf32, #tpu.memory_space<vmem_shared>>
        tpu.enqueue_dma source(%dma_start3A_70 : memref<640x32xf32, #tpu.memory_space<vmem_shared>>) target(%dma_start3A : memref<640x32xf32, #tpu.memory_space<hbm>>) target_semaphore(%run_scoped3A : memref<!tpu.dma_semaphore, #tpu.memory_space<semaphore_mem>>)
        %dma_wait3A = tpu.memref_slice %arg5[%multiple_of3A, %multiple_of3A_39] : memref<10000x128xf32, #tpu.memory_space<hbm>> -> memref<640x32xf32, #tpu.memory_space<hbm>>
        %dma_wait3A_71 = arith.constant 0 : i32
        %dma_wait3A_72 = tpu.memref_slice %arg10[%multiple_of3A, %dma_wait3A_71] : memref<10008x32xf32, #tpu.memory_space<vmem_shared>> -> memref<640x32xf32, #tpu.memory_space<vmem_shared>>
        tpu.wait_dma2 semaphore(%run_scoped3A : memref<!tpu.dma_semaphore, #tpu.memory_space<semaphore_mem>>) src(%dma_wait3A_72 : memref<640x32xf32, #tpu.memory_space<vmem_shared>>) dst(%dma_wait3A : memref<640x32xf32, #tpu.memory_space<hbm>>)
        tpu.yield
      }) : () -> ()
    } else {
    }
    %eq3A_63 = arith.constant 15 : i32
    %eq3A_64 = arith.cmpi eq, %arg1, %eq3A_63 : i32
    %convert_element_type3A_65 = arith.extui %eq3A_64 : i1 to i32
    %cond3A_66 = arith.constant 0 : i32
    %cond3A_67 = arith.cmpi ne, %convert_element_type3A_65, %cond3A_66 : i32
    scf.if %cond3A_67 {
      "tpu.region"() ({
        %run_scoped3A = tpu.sem_alloc : memref<!tpu.dma_semaphore, #tpu.memory_space<semaphore_mem>>
        %dma_start3A = tpu.memref_slice %arg5[%multiple_of3A, %multiple_of3A_39] : memref<10000x128xf32, #tpu.memory_space<hbm>> -> memref<400x32xf32, #tpu.memory_space<hbm>>
        %dma_start3A_69 = arith.constant 0 : i32
        %dma_start3A_70 = tpu.memref_slice %arg10[%multiple_of3A, %dma_start3A_69] : memref<10008x32xf32, #tpu.memory_space<vmem_shared>> -> memref<400x32xf32, #tpu.memory_space<vmem_shared>>
        tpu.enqueue_dma source(%dma_start3A_70 : memref<400x32xf32, #tpu.memory_space<vmem_shared>>) target(%dma_start3A : memref<400x32xf32, #tpu.memory_space<hbm>>) target_semaphore(%run_scoped3A : memref<!tpu.dma_semaphore, #tpu.memory_space<semaphore_mem>>)
        %dma_wait3A = tpu.memref_slice %arg5[%multiple_of3A, %multiple_of3A_39] : memref<10000x128xf32, #tpu.memory_space<hbm>> -> memref<400x32xf32, #tpu.memory_space<hbm>>
        %dma_wait3A_71 = arith.constant 0 : i32
        %dma_wait3A_72 = tpu.memref_slice %arg10[%multiple_of3A, %dma_wait3A_71] : memref<10008x32xf32, #tpu.memory_space<vmem_shared>> -> memref<400x32xf32, #tpu.memory_space<vmem_shared>>
        tpu.wait_dma2 semaphore(%run_scoped3A : memref<!tpu.dma_semaphore, #tpu.memory_space<semaphore_mem>>) src(%dma_wait3A_72 : memref<400x32xf32, #tpu.memory_space<vmem_shared>>) dst(%dma_wait3A : memref<400x32xf32, #tpu.memory_space<hbm>>)
        tpu.yield
      }) : () -> ()
    } else {
    }
    %barrier3A_68 = arith.constant 0 : index
    tpu.barrier barrier_id(%barrier3A_68)
    return
  }
}

#map = affine_map<(d0, d1) -> (0, 0)>
module attributes {stable_mosaic.version = 14 : i64} {
  func.func @_segsum_body(%arg0: i32, %arg1: i32, %arg2: memref<10000x128xf32, #tpu.memory_space<hbm>>, %arg3: memref<320x1000xi32, #tpu.memory_space<hbm>>, %arg4: memref<320x1000xi32, #tpu.memory_space<hbm>>, %arg5: memref<10000x128xf32, #tpu.memory_space<hbm>>, %arg6: memref<2x1000xi32, #tpu.memory_space<vmem>>, %arg7: memref<2x1000xi32, #tpu.memory_space<vmem>>, %arg8: memref<2x1000x32xf32, #tpu.memory_space<vmem>>, %arg9: memref<10008x32xf32, #tpu.memory_space<vmem_shared>>, %arg10: memref<10008x32xf32, #tpu.memory_space<vmem_shared>>, %arg11: memref<!tpu.dma_semaphore, #tpu.memory_space<semaphore_mem>>, %arg12: memref<!tpu.dma_semaphore, #tpu.memory_space<semaphore_mem>>) attributes {dimension_semantics = [#tpu.dimension_semantics<core_parallel>, #tpu.dimension_semantics<subcore_parallel>], iteration_bounds = array<i64: 2, 16>, scalar_prefetch = 0 : i64, scratch_operands = 7 : i64, tpu.core_type = #tpu.core_type<sc_vector_subcore>, window_params = [{transform_indices = #map}, {transform_indices = #map}, {transform_indices = #map}, {transform_indices = #map}]} {
    %mul3A = arith.constant 640 : i32
    %mul3A_0 = arith.muli %arg1, %mul3A : i32
    %multiple_of3A = tpu.assume_multiple %mul3A_0, 8 : i32
    %mul3A_1 = arith.constant 20 : i32
    %mul3A_2 = arith.muli %arg1, %mul3A_1 : i32
    %multiple_of3A_3 = tpu.assume_multiple %mul3A_2, 8 : i32
    %mul3A_4 = arith.constant 2 : i32
    %mul3A_5 = arith.muli %arg0, %mul3A_4 : i32
    %add3A = arith.constant 0 : i32
    %add3A_6 = arith.addi %mul3A_5, %add3A : i32
    %mul3A_7 = arith.constant 32 : i32
    %mul3A_8 = arith.muli %add3A_6, %mul3A_7 : i32
    %multiple_of3A_9 = tpu.assume_multiple %mul3A_8, 8 : i32
    %lt3A = arith.constant 15 : i32
    %lt3A_10 = arith.cmpi slt, %arg1, %lt3A : i32
    %convert_element_type3A = arith.extui %lt3A_10 : i1 to i32
    %cond3A = arith.constant 0 : i32
    %cond3A_11 = arith.cmpi ne, %convert_element_type3A, %cond3A : i32
    scf.if %cond3A_11 {
      "tpu.region"() ({
        %run_scoped3A = tpu.sem_alloc : memref<!tpu.dma_semaphore, #tpu.memory_space<semaphore_mem>>
        %dma_start3A = arith.constant 0 : i32
        %dma_start3A_69 = tpu.memref_slice %arg9[%multiple_of3A, %dma_start3A] : memref<10008x32xf32, #tpu.memory_space<vmem_shared>> -> memref<640x32xf32, #tpu.memory_space<vmem_shared>>
        %dma_start3A_70 = tpu.memref_slice %arg2[%multiple_of3A, %multiple_of3A_9] : memref<10000x128xf32, #tpu.memory_space<hbm>> -> memref<640x32xf32, #tpu.memory_space<hbm>>
        tpu.enqueue_dma source(%dma_start3A_70 : memref<640x32xf32, #tpu.memory_space<hbm>>) target(%dma_start3A_69 : memref<640x32xf32, #tpu.memory_space<vmem_shared>>) target_semaphore(%run_scoped3A : memref<!tpu.dma_semaphore, #tpu.memory_space<semaphore_mem>>)
        %dma_wait3A = arith.constant 0 : i32
        %dma_wait3A_71 = tpu.memref_slice %arg9[%multiple_of3A, %dma_wait3A] : memref<10008x32xf32, #tpu.memory_space<vmem_shared>> -> memref<640x32xf32, #tpu.memory_space<vmem_shared>>
        %dma_wait3A_72 = tpu.memref_slice %arg2[%multiple_of3A, %multiple_of3A_9] : memref<10000x128xf32, #tpu.memory_space<hbm>> -> memref<640x32xf32, #tpu.memory_space<hbm>>
        tpu.wait_dma2 semaphore(%run_scoped3A : memref<!tpu.dma_semaphore, #tpu.memory_space<semaphore_mem>>) src(%dma_wait3A_72 : memref<640x32xf32, #tpu.memory_space<hbm>>) dst(%dma_wait3A_71 : memref<640x32xf32, #tpu.memory_space<vmem_shared>>)
        tpu.yield
      }) : () -> ()
      "tpu.region"() ({
        %run_scoped3A = tpu.sem_alloc : memref<!tpu.dma_semaphore, #tpu.memory_space<semaphore_mem>>
        %dma_start3A = arith.constant 0 : i32
        %dma_start3A_69 = tpu.memref_slice %arg10[%multiple_of3A, %dma_start3A] : memref<10008x32xf32, #tpu.memory_space<vmem_shared>> -> memref<640x32xf32, #tpu.memory_space<vmem_shared>>
        %dma_start3A_70 = tpu.memref_slice %arg2[%multiple_of3A, %multiple_of3A_9] : memref<10000x128xf32, #tpu.memory_space<hbm>> -> memref<640x32xf32, #tpu.memory_space<hbm>>
        tpu.enqueue_dma source(%dma_start3A_70 : memref<640x32xf32, #tpu.memory_space<hbm>>) target(%dma_start3A_69 : memref<640x32xf32, #tpu.memory_space<vmem_shared>>) target_semaphore(%run_scoped3A : memref<!tpu.dma_semaphore, #tpu.memory_space<semaphore_mem>>)
        %dma_wait3A = arith.constant 0 : i32
        %dma_wait3A_71 = tpu.memref_slice %arg10[%multiple_of3A, %dma_wait3A] : memref<10008x32xf32, #tpu.memory_space<vmem_shared>> -> memref<640x32xf32, #tpu.memory_space<vmem_shared>>
        %dma_wait3A_72 = tpu.memref_slice %arg2[%multiple_of3A, %multiple_of3A_9] : memref<10000x128xf32, #tpu.memory_space<hbm>> -> memref<640x32xf32, #tpu.memory_space<hbm>>
        tpu.wait_dma2 semaphore(%run_scoped3A : memref<!tpu.dma_semaphore, #tpu.memory_space<semaphore_mem>>) src(%dma_wait3A_72 : memref<640x32xf32, #tpu.memory_space<hbm>>) dst(%dma_wait3A_71 : memref<640x32xf32, #tpu.memory_space<vmem_shared>>)
        tpu.yield
      }) : () -> ()
    } else {
    }
    %eq3A = arith.constant 15 : i32
    %eq3A_12 = arith.cmpi eq, %arg1, %eq3A : i32
    %convert_element_type3A_13 = arith.extui %eq3A_12 : i1 to i32
    %cond3A_14 = arith.constant 0 : i32
    %cond3A_15 = arith.cmpi ne, %convert_element_type3A_13, %cond3A_14 : i32
    scf.if %cond3A_15 {
      "tpu.region"() ({
        %run_scoped3A = tpu.sem_alloc : memref<!tpu.dma_semaphore, #tpu.memory_space<semaphore_mem>>
        %dma_start3A = arith.constant 0 : i32
        %dma_start3A_69 = tpu.memref_slice %arg9[%multiple_of3A, %dma_start3A] : memref<10008x32xf32, #tpu.memory_space<vmem_shared>> -> memref<400x32xf32, #tpu.memory_space<vmem_shared>>
        %dma_start3A_70 = tpu.memref_slice %arg2[%multiple_of3A, %multiple_of3A_9] : memref<10000x128xf32, #tpu.memory_space<hbm>> -> memref<400x32xf32, #tpu.memory_space<hbm>>
        tpu.enqueue_dma source(%dma_start3A_70 : memref<400x32xf32, #tpu.memory_space<hbm>>) target(%dma_start3A_69 : memref<400x32xf32, #tpu.memory_space<vmem_shared>>) target_semaphore(%run_scoped3A : memref<!tpu.dma_semaphore, #tpu.memory_space<semaphore_mem>>)
        %dma_wait3A = arith.constant 0 : i32
        %dma_wait3A_71 = tpu.memref_slice %arg9[%multiple_of3A, %dma_wait3A] : memref<10008x32xf32, #tpu.memory_space<vmem_shared>> -> memref<400x32xf32, #tpu.memory_space<vmem_shared>>
        %dma_wait3A_72 = tpu.memref_slice %arg2[%multiple_of3A, %multiple_of3A_9] : memref<10000x128xf32, #tpu.memory_space<hbm>> -> memref<400x32xf32, #tpu.memory_space<hbm>>
        tpu.wait_dma2 semaphore(%run_scoped3A : memref<!tpu.dma_semaphore, #tpu.memory_space<semaphore_mem>>) src(%dma_wait3A_72 : memref<400x32xf32, #tpu.memory_space<hbm>>) dst(%dma_wait3A_71 : memref<400x32xf32, #tpu.memory_space<vmem_shared>>)
        tpu.yield
      }) : () -> ()
      "tpu.region"() ({
        %run_scoped3A = tpu.sem_alloc : memref<!tpu.dma_semaphore, #tpu.memory_space<semaphore_mem>>
        %dma_start3A = arith.constant 0 : i32
        %dma_start3A_69 = tpu.memref_slice %arg10[%multiple_of3A, %dma_start3A] : memref<10008x32xf32, #tpu.memory_space<vmem_shared>> -> memref<400x32xf32, #tpu.memory_space<vmem_shared>>
        %dma_start3A_70 = tpu.memref_slice %arg2[%multiple_of3A, %multiple_of3A_9] : memref<10000x128xf32, #tpu.memory_space<hbm>> -> memref<400x32xf32, #tpu.memory_space<hbm>>
        tpu.enqueue_dma source(%dma_start3A_70 : memref<400x32xf32, #tpu.memory_space<hbm>>) target(%dma_start3A_69 : memref<400x32xf32, #tpu.memory_space<vmem_shared>>) target_semaphore(%run_scoped3A : memref<!tpu.dma_semaphore, #tpu.memory_space<semaphore_mem>>)
        %dma_wait3A = arith.constant 0 : i32
        %dma_wait3A_71 = tpu.memref_slice %arg10[%multiple_of3A, %dma_wait3A] : memref<10008x32xf32, #tpu.memory_space<vmem_shared>> -> memref<400x32xf32, #tpu.memory_space<vmem_shared>>
        %dma_wait3A_72 = tpu.memref_slice %arg2[%multiple_of3A, %multiple_of3A_9] : memref<10000x128xf32, #tpu.memory_space<hbm>> -> memref<400x32xf32, #tpu.memory_space<hbm>>
        tpu.wait_dma2 semaphore(%run_scoped3A : memref<!tpu.dma_semaphore, #tpu.memory_space<semaphore_mem>>) src(%dma_wait3A_72 : memref<400x32xf32, #tpu.memory_space<hbm>>) dst(%dma_wait3A_71 : memref<400x32xf32, #tpu.memory_space<vmem_shared>>)
        tpu.yield
      }) : () -> ()
    } else {
    }
    %barrier3A = arith.constant 0 : index
    tpu.barrier barrier_id(%barrier3A)
    %scan3A = arith.constant 0 : i32
    %scan3A_16 = arith.constant 0 : i32
    %scan3A_17 = arith.constant 10 : i32
    %scan3A_18 = arith.addi %scan3A_16, %scan3A_17 : i32
    %scan3A_19 = arith.constant 1 : i32
    scf.for %scan3A_69 = %scan3A_16 to %scan3A_18 step %scan3A_19  : i32 {
      %mul3A_70 = arith.constant 2 : i32
      %mul3A_71 = arith.muli %scan3A_69, %mul3A_70 : i32
      %add3A_72 = arith.addi %multiple_of3A_3, %mul3A_71 : i32
      "tpu.region"() ({
        %run_scoped3A = tpu.sem_alloc : memref<!tpu.dma_semaphore, #tpu.memory_space<semaphore_mem>>
        %dma_start3A_170 = arith.constant 0 : i32
        %dma_start3A_171 = tpu.memref_slice %arg3[%add3A_72, %dma_start3A_170] : memref<320x1000xi32, #tpu.memory_space<hbm>> -> memref<2x1000xi32, #tpu.memory_space<hbm>>
        %dma_start3A_172 = arith.constant 0 : i32
        %dma_start3A_173 = tpu.memref_slice %arg3[%add3A_72, %dma_start3A_172] : memref<320x1000xi32, #tpu.memory_space<hbm>> -> memref<2x1000xi32, #tpu.memory_space<hbm>>
        tpu.enqueue_dma source(%dma_start3A_173 : memref<2x1000xi32, #tpu.memory_space<hbm>>) target(%arg6 : memref<2x1000xi32, #tpu.memory_space<vmem>>) target_semaphore(%run_scoped3A : memref<!tpu.dma_semaphore, #tpu.memory_space<semaphore_mem>>)
        %dma_wait3A_174 = arith.constant 0 : i32
        %dma_wait3A_175 = tpu.memref_slice %arg3[%add3A_72, %dma_wait3A_174] : memref<320x1000xi32, #tpu.memory_space<hbm>> -> memref<2x1000xi32, #tpu.memory_space<hbm>>
        %dma_wait3A_176 = arith.constant 0 : i32
        %dma_wait3A_177 = tpu.memref_slice %arg3[%add3A_72, %dma_wait3A_176] : memref<320x1000xi32, #tpu.memory_space<hbm>> -> memref<2x1000xi32, #tpu.memory_space<hbm>>
        tpu.wait_dma2 semaphore(%run_scoped3A : memref<!tpu.dma_semaphore, #tpu.memory_space<semaphore_mem>>) src(%dma_wait3A_177 : memref<2x1000xi32, #tpu.memory_space<hbm>>) dst(%arg6 : memref<2x1000xi32, #tpu.memory_space<vmem>>)
        tpu.yield
      }) : () -> ()
      %mul3A_73 = arith.constant 2 : i32
      %mul3A_74 = arith.muli %scan3A_69, %mul3A_73 : i32
      %add3A_75 = arith.addi %multiple_of3A_3, %mul3A_74 : i32
      "tpu.region"() ({
        %run_scoped3A = tpu.sem_alloc : memref<!tpu.dma_semaphore, #tpu.memory_space<semaphore_mem>>
        %dma_start3A_170 = arith.constant 0 : i32
        %dma_start3A_171 = tpu.memref_slice %arg4[%add3A_75, %dma_start3A_170] : memref<320x1000xi32, #tpu.memory_space<hbm>> -> memref<2x1000xi32, #tpu.memory_space<hbm>>
        %dma_start3A_172 = arith.constant 0 : i32
        %dma_start3A_173 = tpu.memref_slice %arg4[%add3A_75, %dma_start3A_172] : memref<320x1000xi32, #tpu.memory_space<hbm>> -> memref<2x1000xi32, #tpu.memory_space<hbm>>
        tpu.enqueue_dma source(%dma_start3A_173 : memref<2x1000xi32, #tpu.memory_space<hbm>>) target(%arg7 : memref<2x1000xi32, #tpu.memory_space<vmem>>) target_semaphore(%run_scoped3A : memref<!tpu.dma_semaphore, #tpu.memory_space<semaphore_mem>>)
        %dma_wait3A_174 = arith.constant 0 : i32
        %dma_wait3A_175 = tpu.memref_slice %arg4[%add3A_75, %dma_wait3A_174] : memref<320x1000xi32, #tpu.memory_space<hbm>> -> memref<2x1000xi32, #tpu.memory_space<hbm>>
        %dma_wait3A_176 = arith.constant 0 : i32
        %dma_wait3A_177 = tpu.memref_slice %arg4[%add3A_75, %dma_wait3A_176] : memref<320x1000xi32, #tpu.memory_space<hbm>> -> memref<2x1000xi32, #tpu.memory_space<hbm>>
        tpu.wait_dma2 semaphore(%run_scoped3A : memref<!tpu.dma_semaphore, #tpu.memory_space<semaphore_mem>>) src(%dma_wait3A_177 : memref<2x1000xi32, #tpu.memory_space<hbm>>) dst(%arg7 : memref<2x1000xi32, #tpu.memory_space<vmem>>)
        tpu.yield
      }) : () -> ()
      %dma_start3A = arith.constant 0 : i32
      %dma_start3A_76 = arith.constant 0 : i32
      %dma_start3A_77 = arith.constant 0 : i32
      %dma_start3A_78 = arith.constant 0 : i32
      %dma_start3A_79 = tpu.memref_slice %arg8[%dma_start3A_76, %dma_start3A_77, %dma_start3A_78] : memref<2x1000x32xf32, #tpu.memory_space<vmem>> -> memref<1x1000x32xf32, #tpu.memory_space<vmem>>
      %dma_start3A_80 = tpu.memref_squeeze %dma_start3A_79 : memref<1x1000x32xf32, #tpu.memory_space<vmem>> -> memref<1000x32xf32, #tpu.memory_space<vmem>>
      %dma_start3A_81 = arith.constant 0 : i32
      %dma_start3A_82 = tpu.memref_slice %arg6[%dma_start3A, %dma_start3A_81] : memref<2x1000xi32, #tpu.memory_space<vmem>> -> memref<1x1000xi32, #tpu.memory_space<vmem>>
      %dma_start3A_83 = tpu.memref_squeeze %dma_start3A_82 : memref<1x1000xi32, #tpu.memory_space<vmem>> -> memref<1000xi32, #tpu.memory_space<vmem>>
      %dma_start3A_84 = arith.constant 0 : i32
      %dma_start3A_85 = arith.constant 0 : i32
      %dma_start3A_86 = tpu.memref_slice %arg9[%dma_start3A_84, %dma_start3A_85] : memref<10008x32xf32, #tpu.memory_space<vmem_shared>> -> memref<10008x32xf32, #tpu.memory_space<vmem_shared>>
      tpu.enqueue_indirect_dma source(%dma_start3A_86 : memref<10008x32xf32, #tpu.memory_space<vmem_shared>>) target(%dma_start3A_80 : memref<1000x32xf32, #tpu.memory_space<vmem>>) offsets(%dma_start3A_83 : memref<1000xi32, #tpu.memory_space<vmem>>) semaphore(%arg11 : memref<!tpu.dma_semaphore, #tpu.memory_space<semaphore_mem>>)
      %dma_wait3A = arith.constant 0 : i32
      %dma_wait3A_87 = arith.constant 0 : i32
      %dma_wait3A_88 = arith.constant 0 : i32
      %dma_wait3A_89 = arith.constant 0 : i32
      %dma_wait3A_90 = tpu.memref_slice %arg8[%dma_wait3A_87, %dma_wait3A_88, %dma_wait3A_89] : memref<2x1000x32xf32, #tpu.memory_space<vmem>> -> memref<1x1000x32xf32, #tpu.memory_space<vmem>>
      %dma_wait3A_91 = tpu.memref_squeeze %dma_wait3A_90 : memref<1x1000x32xf32, #tpu.memory_space<vmem>> -> memref<1000x32xf32, #tpu.memory_space<vmem>>
      %dma_wait3A_92 = arith.constant 0 : i32
      %dma_wait3A_93 = tpu.memref_slice %arg6[%dma_wait3A, %dma_wait3A_92] : memref<2x1000xi32, #tpu.memory_space<vmem>> -> memref<1x1000xi32, #tpu.memory_space<vmem>>
      %dma_wait3A_94 = tpu.memref_squeeze %dma_wait3A_93 : memref<1x1000xi32, #tpu.memory_space<vmem>> -> memref<1000xi32, #tpu.memory_space<vmem>>
      %dma_wait3A_95 = arith.constant 0 : i32
      %dma_wait3A_96 = arith.constant 0 : i32
      %dma_wait3A_97 = tpu.memref_slice %arg9[%dma_wait3A_95, %dma_wait3A_96] : memref<10008x32xf32, #tpu.memory_space<vmem_shared>> -> memref<10008x32xf32, #tpu.memory_space<vmem_shared>>
      tpu.wait_indirect_dma semaphore(%arg11 : memref<!tpu.dma_semaphore, #tpu.memory_space<semaphore_mem>>) src(%dma_wait3A_97 : memref<10008x32xf32, #tpu.memory_space<vmem_shared>>) dst(%dma_wait3A_91 : memref<1000x32xf32, #tpu.memory_space<vmem>>)
      %dma_start3A_98 = arith.constant 0 : i32
      %dma_start3A_99 = arith.constant 0 : i32
      %dma_start3A_100 = arith.constant 0 : i32
      %dma_start3A_101 = arith.constant 0 : i32
      %dma_start3A_102 = tpu.memref_slice %arg8[%dma_start3A_98, %dma_start3A_100, %dma_start3A_101] : memref<2x1000x32xf32, #tpu.memory_space<vmem>> -> memref<1x1000x32xf32, #tpu.memory_space<vmem>>
      %dma_start3A_103 = tpu.memref_squeeze %dma_start3A_102 : memref<1x1000x32xf32, #tpu.memory_space<vmem>> -> memref<1000x32xf32, #tpu.memory_space<vmem>>
      %dma_start3A_104 = arith.constant 0 : i32
      %dma_start3A_105 = tpu.memref_slice %arg7[%dma_start3A_99, %dma_start3A_104] : memref<2x1000xi32, #tpu.memory_space<vmem>> -> memref<1x1000xi32, #tpu.memory_space<vmem>>
      %dma_start3A_106 = tpu.memref_squeeze %dma_start3A_105 : memref<1x1000xi32, #tpu.memory_space<vmem>> -> memref<1000xi32, #tpu.memory_space<vmem>>
      %dma_start3A_107 = arith.constant 0 : i32
      %dma_start3A_108 = arith.constant 0 : i32
      %dma_start3A_109 = tpu.memref_slice %arg10[%dma_start3A_107, %dma_start3A_108] : memref<10008x32xf32, #tpu.memory_space<vmem_shared>> -> memref<10008x32xf32, #tpu.memory_space<vmem_shared>>
      tpu.enqueue_indirect_dma source(%dma_start3A_103 : memref<1000x32xf32, #tpu.memory_space<vmem>>) target(%dma_start3A_109 : memref<10008x32xf32, #tpu.memory_space<vmem_shared>>) offsets(%dma_start3A_106 : memref<1000xi32, #tpu.memory_space<vmem>>) semaphore(%arg12 : memref<!tpu.dma_semaphore, #tpu.memory_space<semaphore_mem>>) {add = true}
      %dma_start3A_110 = arith.constant 1 : i32
      %dma_start3A_111 = arith.constant 1 : i32
      %dma_start3A_112 = arith.constant 0 : i32
      %dma_start3A_113 = arith.constant 0 : i32
      %dma_start3A_114 = tpu.memref_slice %arg8[%dma_start3A_111, %dma_start3A_112, %dma_start3A_113] : memref<2x1000x32xf32, #tpu.memory_space<vmem>> -> memref<1x1000x32xf32, #tpu.memory_space<vmem>>
      %dma_start3A_115 = tpu.memref_squeeze %dma_start3A_114 : memref<1x1000x32xf32, #tpu.memory_space<vmem>> -> memref<1000x32xf32, #tpu.memory_space<vmem>>
      %dma_start3A_116 = arith.constant 0 : i32
      %dma_start3A_117 = tpu.memref_slice %arg6[%dma_start3A_110, %dma_start3A_116] : memref<2x1000xi32, #tpu.memory_space<vmem>> -> memref<1x1000xi32, #tpu.memory_space<vmem>>
      %dma_start3A_118 = tpu.memref_squeeze %dma_start3A_117 : memref<1x1000xi32, #tpu.memory_space<vmem>> -> memref<1000xi32, #tpu.memory_space<vmem>>
      %dma_start3A_119 = arith.constant 0 : i32
      %dma_start3A_120 = arith.constant 0 : i32
      %dma_start3A_121 = tpu.memref_slice %arg9[%dma_start3A_119, %dma_start3A_120] : memref<10008x32xf32, #tpu.memory_space<vmem_shared>> -> memref<10008x32xf32, #tpu.memory_space<vmem_shared>>
      tpu.enqueue_indirect_dma source(%dma_start3A_121 : memref<10008x32xf32, #tpu.memory_space<vmem_shared>>) target(%dma_start3A_115 : memref<1000x32xf32, #tpu.memory_space<vmem>>) offsets(%dma_start3A_118 : memref<1000xi32, #tpu.memory_space<vmem>>) semaphore(%arg11 : memref<!tpu.dma_semaphore, #tpu.memory_space<semaphore_mem>>)
      %dma_wait3A_122 = arith.constant 1 : i32
      %dma_wait3A_123 = arith.constant 1 : i32
      %dma_wait3A_124 = arith.constant 0 : i32
      %dma_wait3A_125 = arith.constant 0 : i32
      %dma_wait3A_126 = tpu.memref_slice %arg8[%dma_wait3A_123, %dma_wait3A_124, %dma_wait3A_125] : memref<2x1000x32xf32, #tpu.memory_space<vmem>> -> memref<1x1000x32xf32, #tpu.memory_space<vmem>>
      %dma_wait3A_127 = tpu.memref_squeeze %dma_wait3A_126 : memref<1x1000x32xf32, #tpu.memory_space<vmem>> -> memref<1000x32xf32, #tpu.memory_space<vmem>>
      %dma_wait3A_128 = arith.constant 0 : i32
      %dma_wait3A_129 = tpu.memref_slice %arg6[%dma_wait3A_122, %dma_wait3A_128] : memref<2x1000xi32, #tpu.memory_space<vmem>> -> memref<1x1000xi32, #tpu.memory_space<vmem>>
      %dma_wait3A_130 = tpu.memref_squeeze %dma_wait3A_129 : memref<1x1000xi32, #tpu.memory_space<vmem>> -> memref<1000xi32, #tpu.memory_space<vmem>>
      %dma_wait3A_131 = arith.constant 0 : i32
      %dma_wait3A_132 = arith.constant 0 : i32
      %dma_wait3A_133 = tpu.memref_slice %arg9[%dma_wait3A_131, %dma_wait3A_132] : memref<10008x32xf32, #tpu.memory_space<vmem_shared>> -> memref<10008x32xf32, #tpu.memory_space<vmem_shared>>
      tpu.wait_indirect_dma semaphore(%arg11 : memref<!tpu.dma_semaphore, #tpu.memory_space<semaphore_mem>>) src(%dma_wait3A_133 : memref<10008x32xf32, #tpu.memory_space<vmem_shared>>) dst(%dma_wait3A_127 : memref<1000x32xf32, #tpu.memory_space<vmem>>)
      %dma_start3A_134 = arith.constant 1 : i32
      %dma_start3A_135 = arith.constant 1 : i32
      %dma_start3A_136 = arith.constant 0 : i32
      %dma_start3A_137 = arith.constant 0 : i32
      %dma_start3A_138 = tpu.memref_slice %arg8[%dma_start3A_134, %dma_start3A_136, %dma_start3A_137] : memref<2x1000x32xf32, #tpu.memory_space<vmem>> -> memref<1x1000x32xf32, #tpu.memory_space<vmem>>
      %dma_start3A_139 = tpu.memref_squeeze %dma_start3A_138 : memref<1x1000x32xf32, #tpu.memory_space<vmem>> -> memref<1000x32xf32, #tpu.memory_space<vmem>>
      %dma_start3A_140 = arith.constant 0 : i32
      %dma_start3A_141 = tpu.memref_slice %arg7[%dma_start3A_135, %dma_start3A_140] : memref<2x1000xi32, #tpu.memory_space<vmem>> -> memref<1x1000xi32, #tpu.memory_space<vmem>>
      %dma_start3A_142 = tpu.memref_squeeze %dma_start3A_141 : memref<1x1000xi32, #tpu.memory_space<vmem>> -> memref<1000xi32, #tpu.memory_space<vmem>>
      %dma_start3A_143 = arith.constant 0 : i32
      %dma_start3A_144 = arith.constant 0 : i32
      %dma_start3A_145 = tpu.memref_slice %arg10[%dma_start3A_143, %dma_start3A_144] : memref<10008x32xf32, #tpu.memory_space<vmem_shared>> -> memref<10008x32xf32, #tpu.memory_space<vmem_shared>>
      tpu.enqueue_indirect_dma source(%dma_start3A_139 : memref<1000x32xf32, #tpu.memory_space<vmem>>) target(%dma_start3A_145 : memref<10008x32xf32, #tpu.memory_space<vmem_shared>>) offsets(%dma_start3A_142 : memref<1000xi32, #tpu.memory_space<vmem>>) semaphore(%arg12 : memref<!tpu.dma_semaphore, #tpu.memory_space<semaphore_mem>>) {add = true}
      %dma_wait3A_146 = arith.constant 0 : i32
      %dma_wait3A_147 = arith.constant 0 : i32
      %dma_wait3A_148 = arith.constant 0 : i32
      %dma_wait3A_149 = arith.constant 0 : i32
      %dma_wait3A_150 = tpu.memref_slice %arg8[%dma_wait3A_146, %dma_wait3A_148, %dma_wait3A_149] : memref<2x1000x32xf32, #tpu.memory_space<vmem>> -> memref<1x1000x32xf32, #tpu.memory_space<vmem>>
      %dma_wait3A_151 = tpu.memref_squeeze %dma_wait3A_150 : memref<1x1000x32xf32, #tpu.memory_space<vmem>> -> memref<1000x32xf32, #tpu.memory_space<vmem>>
      %dma_wait3A_152 = arith.constant 0 : i32
      %dma_wait3A_153 = tpu.memref_slice %arg7[%dma_wait3A_147, %dma_wait3A_152] : memref<2x1000xi32, #tpu.memory_space<vmem>> -> memref<1x1000xi32, #tpu.memory_space<vmem>>
      %dma_wait3A_154 = tpu.memref_squeeze %dma_wait3A_153 : memref<1x1000xi32, #tpu.memory_space<vmem>> -> memref<1000xi32, #tpu.memory_space<vmem>>
      %dma_wait3A_155 = arith.constant 0 : i32
      %dma_wait3A_156 = arith.constant 0 : i32
      %dma_wait3A_157 = tpu.memref_slice %arg10[%dma_wait3A_155, %dma_wait3A_156] : memref<10008x32xf32, #tpu.memory_space<vmem_shared>> -> memref<10008x32xf32, #tpu.memory_space<vmem_shared>>
      tpu.wait_indirect_dma semaphore(%arg12 : memref<!tpu.dma_semaphore, #tpu.memory_space<semaphore_mem>>) src(%dma_wait3A_151 : memref<1000x32xf32, #tpu.memory_space<vmem>>) dst(%dma_wait3A_157 : memref<10008x32xf32, #tpu.memory_space<vmem_shared>>)
      %dma_wait3A_158 = arith.constant 1 : i32
      %dma_wait3A_159 = arith.constant 1 : i32
      %dma_wait3A_160 = arith.constant 0 : i32
      %dma_wait3A_161 = arith.constant 0 : i32
      %dma_wait3A_162 = tpu.memref_slice %arg8[%dma_wait3A_158, %dma_wait3A_160, %dma_wait3A_161] : memref<2x1000x32xf32, #tpu.memory_space<vmem>> -> memref<1x1000x32xf32, #tpu.memory_space<vmem>>
      %dma_wait3A_163 = tpu.memref_squeeze %dma_wait3A_162 : memref<1x1000x32xf32, #tpu.memory_space<vmem>> -> memref<1000x32xf32, #tpu.memory_space<vmem>>
      %dma_wait3A_164 = arith.constant 0 : i32
      %dma_wait3A_165 = tpu.memref_slice %arg7[%dma_wait3A_159, %dma_wait3A_164] : memref<2x1000xi32, #tpu.memory_space<vmem>> -> memref<1x1000xi32, #tpu.memory_space<vmem>>
      %dma_wait3A_166 = tpu.memref_squeeze %dma_wait3A_165 : memref<1x1000xi32, #tpu.memory_space<vmem>> -> memref<1000xi32, #tpu.memory_space<vmem>>
      %dma_wait3A_167 = arith.constant 0 : i32
      %dma_wait3A_168 = arith.constant 0 : i32
      %dma_wait3A_169 = tpu.memref_slice %arg10[%dma_wait3A_167, %dma_wait3A_168] : memref<10008x32xf32, #tpu.memory_space<vmem_shared>> -> memref<10008x32xf32, #tpu.memory_space<vmem_shared>>
      tpu.wait_indirect_dma semaphore(%arg12 : memref<!tpu.dma_semaphore, #tpu.memory_space<semaphore_mem>>) src(%dma_wait3A_163 : memref<1000x32xf32, #tpu.memory_space<vmem>>) dst(%dma_wait3A_169 : memref<10008x32xf32, #tpu.memory_space<vmem_shared>>)
    }
    %scan3A_20 = arith.constant 10 : i32
    %barrier3A_21 = arith.constant 0 : index
    tpu.barrier barrier_id(%barrier3A_21)
    %lt3A_22 = arith.constant 15 : i32
    %lt3A_23 = arith.cmpi slt, %arg1, %lt3A_22 : i32
    %convert_element_type3A_24 = arith.extui %lt3A_23 : i1 to i32
    %cond3A_25 = arith.constant 0 : i32
    %cond3A_26 = arith.cmpi ne, %convert_element_type3A_24, %cond3A_25 : i32
    scf.if %cond3A_26 {
      "tpu.region"() ({
        %run_scoped3A = tpu.sem_alloc : memref<!tpu.dma_semaphore, #tpu.memory_space<semaphore_mem>>
        %dma_start3A = tpu.memref_slice %arg5[%multiple_of3A, %multiple_of3A_9] : memref<10000x128xf32, #tpu.memory_space<hbm>> -> memref<640x32xf32, #tpu.memory_space<hbm>>
        %dma_start3A_69 = arith.constant 0 : i32
        %dma_start3A_70 = tpu.memref_slice %arg10[%multiple_of3A, %dma_start3A_69] : memref<10008x32xf32, #tpu.memory_space<vmem_shared>> -> memref<640x32xf32, #tpu.memory_space<vmem_shared>>
        tpu.enqueue_dma source(%dma_start3A_70 : memref<640x32xf32, #tpu.memory_space<vmem_shared>>) target(%dma_start3A : memref<640x32xf32, #tpu.memory_space<hbm>>) target_semaphore(%run_scoped3A : memref<!tpu.dma_semaphore, #tpu.memory_space<semaphore_mem>>)
        %dma_wait3A = tpu.memref_slice %arg5[%multiple_of3A, %multiple_of3A_9] : memref<10000x128xf32, #tpu.memory_space<hbm>> -> memref<640x32xf32, #tpu.memory_space<hbm>>
        %dma_wait3A_71 = arith.constant 0 : i32
        %dma_wait3A_72 = tpu.memref_slice %arg10[%multiple_of3A, %dma_wait3A_71] : memref<10008x32xf32, #tpu.memory_space<vmem_shared>> -> memref<640x32xf32, #tpu.memory_space<vmem_shared>>
        tpu.wait_dma2 semaphore(%run_scoped3A : memref<!tpu.dma_semaphore, #tpu.memory_space<semaphore_mem>>) src(%dma_wait3A_72 : memref<640x32xf32, #tpu.memory_space<vmem_shared>>) dst(%dma_wait3A : memref<640x32xf32, #tpu.memory_space<hbm>>)
        tpu.yield
      }) : () -> ()
    } else {
    }
    %eq3A_27 = arith.constant 15 : i32
    %eq3A_28 = arith.cmpi eq, %arg1, %eq3A_27 : i32
    %convert_element_type3A_29 = arith.extui %eq3A_28 : i1 to i32
    %cond3A_30 = arith.constant 0 : i32
    %cond3A_31 = arith.cmpi ne, %convert_element_type3A_29, %cond3A_30 : i32
    scf.if %cond3A_31 {
      "tpu.region"() ({
        %run_scoped3A = tpu.sem_alloc : memref<!tpu.dma_semaphore, #tpu.memory_space<semaphore_mem>>
        %dma_start3A = tpu.memref_slice %arg5[%multiple_of3A, %multiple_of3A_9] : memref<10000x128xf32, #tpu.memory_space<hbm>> -> memref<400x32xf32, #tpu.memory_space<hbm>>
        %dma_start3A_69 = arith.constant 0 : i32
        %dma_start3A_70 = tpu.memref_slice %arg10[%multiple_of3A, %dma_start3A_69] : memref<10008x32xf32, #tpu.memory_space<vmem_shared>> -> memref<400x32xf32, #tpu.memory_space<vmem_shared>>
        tpu.enqueue_dma source(%dma_start3A_70 : memref<400x32xf32, #tpu.memory_space<vmem_shared>>) target(%dma_start3A : memref<400x32xf32, #tpu.memory_space<hbm>>) target_semaphore(%run_scoped3A : memref<!tpu.dma_semaphore, #tpu.memory_space<semaphore_mem>>)
        %dma_wait3A = tpu.memref_slice %arg5[%multiple_of3A, %multiple_of3A_9] : memref<10000x128xf32, #tpu.memory_space<hbm>> -> memref<400x32xf32, #tpu.memory_space<hbm>>
        %dma_wait3A_71 = arith.constant 0 : i32
        %dma_wait3A_72 = tpu.memref_slice %arg10[%multiple_of3A, %dma_wait3A_71] : memref<10008x32xf32, #tpu.memory_space<vmem_shared>> -> memref<400x32xf32, #tpu.memory_space<vmem_shared>>
        tpu.wait_dma2 semaphore(%run_scoped3A : memref<!tpu.dma_semaphore, #tpu.memory_space<semaphore_mem>>) src(%dma_wait3A_72 : memref<400x32xf32, #tpu.memory_space<vmem_shared>>) dst(%dma_wait3A : memref<400x32xf32, #tpu.memory_space<hbm>>)
        tpu.yield
      }) : () -> ()
    } else {
    }
    %barrier3A_32 = arith.constant 0 : index
    tpu.barrier barrier_id(%barrier3A_32)
    %mul3A_33 = arith.constant 2 : i32
    %mul3A_34 = arith.muli %arg0, %mul3A_33 : i32
    %add3A_35 = arith.constant 1 : i32
    %add3A_36 = arith.addi %mul3A_34, %add3A_35 : i32
    %mul3A_37 = arith.constant 32 : i32
    %mul3A_38 = arith.muli %add3A_36, %mul3A_37 : i32
    %multiple_of3A_39 = tpu.assume_multiple %mul3A_38, 8 : i32
    %lt3A_40 = arith.constant 15 : i32
    %lt3A_41 = arith.cmpi slt, %arg1, %lt3A_40 : i32
    %convert_element_type3A_42 = arith.extui %lt3A_41 : i1 to i32
    %cond3A_43 = arith.constant 0 : i32
    %cond3A_44 = arith.cmpi ne, %convert_element_type3A_42, %cond3A_43 : i32
    scf.if %cond3A_44 {
      "tpu.region"() ({
        %run_scoped3A = tpu.sem_alloc : memref<!tpu.dma_semaphore, #tpu.memory_space<semaphore_mem>>
        %dma_start3A = arith.constant 0 : i32
        %dma_start3A_69 = tpu.memref_slice %arg9[%multiple_of3A, %dma_start3A] : memref<10008x32xf32, #tpu.memory_space<vmem_shared>> -> memref<640x32xf32, #tpu.memory_space<vmem_shared>>
        %dma_start3A_70 = tpu.memref_slice %arg2[%multiple_of3A, %multiple_of3A_39] : memref<10000x128xf32, #tpu.memory_space<hbm>> -> memref<640x32xf32, #tpu.memory_space<hbm>>
        tpu.enqueue_dma source(%dma_start3A_70 : memref<640x32xf32, #tpu.memory_space<hbm>>) target(%dma_start3A_69 : memref<640x32xf32, #tpu.memory_space<vmem_shared>>) target_semaphore(%run_scoped3A : memref<!tpu.dma_semaphore, #tpu.memory_space<semaphore_mem>>)
        %dma_wait3A = arith.constant 0 : i32
        %dma_wait3A_71 = tpu.memref_slice %arg9[%multiple_of3A, %dma_wait3A] : memref<10008x32xf32, #tpu.memory_space<vmem_shared>> -> memref<640x32xf32, #tpu.memory_space<vmem_shared>>
        %dma_wait3A_72 = tpu.memref_slice %arg2[%multiple_of3A, %multiple_of3A_39] : memref<10000x128xf32, #tpu.memory_space<hbm>> -> memref<640x32xf32, #tpu.memory_space<hbm>>
        tpu.wait_dma2 semaphore(%run_scoped3A : memref<!tpu.dma_semaphore, #tpu.memory_space<semaphore_mem>>) src(%dma_wait3A_72 : memref<640x32xf32, #tpu.memory_space<hbm>>) dst(%dma_wait3A_71 : memref<640x32xf32, #tpu.memory_space<vmem_shared>>)
        tpu.yield
      }) : () -> ()
      "tpu.region"() ({
        %run_scoped3A = tpu.sem_alloc : memref<!tpu.dma_semaphore, #tpu.memory_space<semaphore_mem>>
        %dma_start3A = arith.constant 0 : i32
        %dma_start3A_69 = tpu.memref_slice %arg10[%multiple_of3A, %dma_start3A] : memref<10008x32xf32, #tpu.memory_space<vmem_shared>> -> memref<640x32xf32, #tpu.memory_space<vmem_shared>>
        %dma_start3A_70 = tpu.memref_slice %arg2[%multiple_of3A, %multiple_of3A_39] : memref<10000x128xf32, #tpu.memory_space<hbm>> -> memref<640x32xf32, #tpu.memory_space<hbm>>
        tpu.enqueue_dma source(%dma_start3A_70 : memref<640x32xf32, #tpu.memory_space<hbm>>) target(%dma_start3A_69 : memref<640x32xf32, #tpu.memory_space<vmem_shared>>) target_semaphore(%run_scoped3A : memref<!tpu.dma_semaphore, #tpu.memory_space<semaphore_mem>>)
        %dma_wait3A = arith.constant 0 : i32
        %dma_wait3A_71 = tpu.memref_slice %arg10[%multiple_of3A, %dma_wait3A] : memref<10008x32xf32, #tpu.memory_space<vmem_shared>> -> memref<640x32xf32, #tpu.memory_space<vmem_shared>>
        %dma_wait3A_72 = tpu.memref_slice %arg2[%multiple_of3A, %multiple_of3A_39] : memref<10000x128xf32, #tpu.memory_space<hbm>> -> memref<640x32xf32, #tpu.memory_space<hbm>>
        tpu.wait_dma2 semaphore(%run_scoped3A : memref<!tpu.dma_semaphore, #tpu.memory_space<semaphore_mem>>) src(%dma_wait3A_72 : memref<640x32xf32, #tpu.memory_space<hbm>>) dst(%dma_wait3A_71 : memref<640x32xf32, #tpu.memory_space<vmem_shared>>)
        tpu.yield
      }) : () -> ()
    } else {
    }
    %eq3A_45 = arith.constant 15 : i32
    %eq3A_46 = arith.cmpi eq, %arg1, %eq3A_45 : i32
    %convert_element_type3A_47 = arith.extui %eq3A_46 : i1 to i32
    %cond3A_48 = arith.constant 0 : i32
    %cond3A_49 = arith.cmpi ne, %convert_element_type3A_47, %cond3A_48 : i32
    scf.if %cond3A_49 {
      "tpu.region"() ({
        %run_scoped3A = tpu.sem_alloc : memref<!tpu.dma_semaphore, #tpu.memory_space<semaphore_mem>>
        %dma_start3A = arith.constant 0 : i32
        %dma_start3A_69 = tpu.memref_slice %arg9[%multiple_of3A, %dma_start3A] : memref<10008x32xf32, #tpu.memory_space<vmem_shared>> -> memref<400x32xf32, #tpu.memory_space<vmem_shared>>
        %dma_start3A_70 = tpu.memref_slice %arg2[%multiple_of3A, %multiple_of3A_39] : memref<10000x128xf32, #tpu.memory_space<hbm>> -> memref<400x32xf32, #tpu.memory_space<hbm>>
        tpu.enqueue_dma source(%dma_start3A_70 : memref<400x32xf32, #tpu.memory_space<hbm>>) target(%dma_start3A_69 : memref<400x32xf32, #tpu.memory_space<vmem_shared>>) target_semaphore(%run_scoped3A : memref<!tpu.dma_semaphore, #tpu.memory_space<semaphore_mem>>)
        %dma_wait3A = arith.constant 0 : i32
        %dma_wait3A_71 = tpu.memref_slice %arg9[%multiple_of3A, %dma_wait3A] : memref<10008x32xf32, #tpu.memory_space<vmem_shared>> -> memref<400x32xf32, #tpu.memory_space<vmem_shared>>
        %dma_wait3A_72 = tpu.memref_slice %arg2[%multiple_of3A, %multiple_of3A_39] : memref<10000x128xf32, #tpu.memory_space<hbm>> -> memref<400x32xf32, #tpu.memory_space<hbm>>
        tpu.wait_dma2 semaphore(%run_scoped3A : memref<!tpu.dma_semaphore, #tpu.memory_space<semaphore_mem>>) src(%dma_wait3A_72 : memref<400x32xf32, #tpu.memory_space<hbm>>) dst(%dma_wait3A_71 : memref<400x32xf32, #tpu.memory_space<vmem_shared>>)
        tpu.yield
      }) : () -> ()
      "tpu.region"() ({
        %run_scoped3A = tpu.sem_alloc : memref<!tpu.dma_semaphore, #tpu.memory_space<semaphore_mem>>
        %dma_start3A = arith.constant 0 : i32
        %dma_start3A_69 = tpu.memref_slice %arg10[%multiple_of3A, %dma_start3A] : memref<10008x32xf32, #tpu.memory_space<vmem_shared>> -> memref<400x32xf32, #tpu.memory_space<vmem_shared>>
        %dma_start3A_70 = tpu.memref_slice %arg2[%multiple_of3A, %multiple_of3A_39] : memref<10000x128xf32, #tpu.memory_space<hbm>> -> memref<400x32xf32, #tpu.memory_space<hbm>>
        tpu.enqueue_dma source(%dma_start3A_70 : memref<400x32xf32, #tpu.memory_space<hbm>>) target(%dma_start3A_69 : memref<400x32xf32, #tpu.memory_space<vmem_shared>>) target_semaphore(%run_scoped3A : memref<!tpu.dma_semaphore, #tpu.memory_space<semaphore_mem>>)
        %dma_wait3A = arith.constant 0 : i32
        %dma_wait3A_71 = tpu.memref_slice %arg10[%multiple_of3A, %dma_wait3A] : memref<10008x32xf32, #tpu.memory_space<vmem_shared>> -> memref<400x32xf32, #tpu.memory_space<vmem_shared>>
        %dma_wait3A_72 = tpu.memref_slice %arg2[%multiple_of3A, %multiple_of3A_39] : memref<10000x128xf32, #tpu.memory_space<hbm>> -> memref<400x32xf32, #tpu.memory_space<hbm>>
        tpu.wait_dma2 semaphore(%run_scoped3A : memref<!tpu.dma_semaphore, #tpu.memory_space<semaphore_mem>>) src(%dma_wait3A_72 : memref<400x32xf32, #tpu.memory_space<hbm>>) dst(%dma_wait3A_71 : memref<400x32xf32, #tpu.memory_space<vmem_shared>>)
        tpu.yield
      }) : () -> ()
    } else {
    }
    %barrier3A_50 = arith.constant 0 : index
    tpu.barrier barrier_id(%barrier3A_50)
    %scan3A_51 = arith.constant 0 : i32
    %scan3A_52 = arith.constant 0 : i32
    %scan3A_53 = arith.constant 10 : i32
    %scan3A_54 = arith.addi %scan3A_52, %scan3A_53 : i32
    %scan3A_55 = arith.constant 1 : i32
    scf.for %scan3A_69 = %scan3A_52 to %scan3A_54 step %scan3A_55  : i32 {
      %mul3A_70 = arith.constant 2 : i32
      %mul3A_71 = arith.muli %scan3A_69, %mul3A_70 : i32
      %add3A_72 = arith.addi %multiple_of3A_3, %mul3A_71 : i32
      "tpu.region"() ({
        %run_scoped3A = tpu.sem_alloc : memref<!tpu.dma_semaphore, #tpu.memory_space<semaphore_mem>>
        %dma_start3A_170 = arith.constant 0 : i32
        %dma_start3A_171 = tpu.memref_slice %arg3[%add3A_72, %dma_start3A_170] : memref<320x1000xi32, #tpu.memory_space<hbm>> -> memref<2x1000xi32, #tpu.memory_space<hbm>>
        %dma_start3A_172 = arith.constant 0 : i32
        %dma_start3A_173 = tpu.memref_slice %arg3[%add3A_72, %dma_start3A_172] : memref<320x1000xi32, #tpu.memory_space<hbm>> -> memref<2x1000xi32, #tpu.memory_space<hbm>>
        tpu.enqueue_dma source(%dma_start3A_173 : memref<2x1000xi32, #tpu.memory_space<hbm>>) target(%arg6 : memref<2x1000xi32, #tpu.memory_space<vmem>>) target_semaphore(%run_scoped3A : memref<!tpu.dma_semaphore, #tpu.memory_space<semaphore_mem>>)
        %dma_wait3A_174 = arith.constant 0 : i32
        %dma_wait3A_175 = tpu.memref_slice %arg3[%add3A_72, %dma_wait3A_174] : memref<320x1000xi32, #tpu.memory_space<hbm>> -> memref<2x1000xi32, #tpu.memory_space<hbm>>
        %dma_wait3A_176 = arith.constant 0 : i32
        %dma_wait3A_177 = tpu.memref_slice %arg3[%add3A_72, %dma_wait3A_176] : memref<320x1000xi32, #tpu.memory_space<hbm>> -> memref<2x1000xi32, #tpu.memory_space<hbm>>
        tpu.wait_dma2 semaphore(%run_scoped3A : memref<!tpu.dma_semaphore, #tpu.memory_space<semaphore_mem>>) src(%dma_wait3A_177 : memref<2x1000xi32, #tpu.memory_space<hbm>>) dst(%arg6 : memref<2x1000xi32, #tpu.memory_space<vmem>>)
        tpu.yield
      }) : () -> ()
      %mul3A_73 = arith.constant 2 : i32
      %mul3A_74 = arith.muli %scan3A_69, %mul3A_73 : i32
      %add3A_75 = arith.addi %multiple_of3A_3, %mul3A_74 : i32
      "tpu.region"() ({
        %run_scoped3A = tpu.sem_alloc : memref<!tpu.dma_semaphore, #tpu.memory_space<semaphore_mem>>
        %dma_start3A_170 = arith.constant 0 : i32
        %dma_start3A_171 = tpu.memref_slice %arg4[%add3A_75, %dma_start3A_170] : memref<320x1000xi32, #tpu.memory_space<hbm>> -> memref<2x1000xi32, #tpu.memory_space<hbm>>
        %dma_start3A_172 = arith.constant 0 : i32
        %dma_start3A_173 = tpu.memref_slice %arg4[%add3A_75, %dma_start3A_172] : memref<320x1000xi32, #tpu.memory_space<hbm>> -> memref<2x1000xi32, #tpu.memory_space<hbm>>
        tpu.enqueue_dma source(%dma_start3A_173 : memref<2x1000xi32, #tpu.memory_space<hbm>>) target(%arg7 : memref<2x1000xi32, #tpu.memory_space<vmem>>) target_semaphore(%run_scoped3A : memref<!tpu.dma_semaphore, #tpu.memory_space<semaphore_mem>>)
        %dma_wait3A_174 = arith.constant 0 : i32
        %dma_wait3A_175 = tpu.memref_slice %arg4[%add3A_75, %dma_wait3A_174] : memref<320x1000xi32, #tpu.memory_space<hbm>> -> memref<2x1000xi32, #tpu.memory_space<hbm>>
        %dma_wait3A_176 = arith.constant 0 : i32
        %dma_wait3A_177 = tpu.memref_slice %arg4[%add3A_75, %dma_wait3A_176] : memref<320x1000xi32, #tpu.memory_space<hbm>> -> memref<2x1000xi32, #tpu.memory_space<hbm>>
        tpu.wait_dma2 semaphore(%run_scoped3A : memref<!tpu.dma_semaphore, #tpu.memory_space<semaphore_mem>>) src(%dma_wait3A_177 : memref<2x1000xi32, #tpu.memory_space<hbm>>) dst(%arg7 : memref<2x1000xi32, #tpu.memory_space<vmem>>)
        tpu.yield
      }) : () -> ()
      %dma_start3A = arith.constant 0 : i32
      %dma_start3A_76 = arith.constant 0 : i32
      %dma_start3A_77 = arith.constant 0 : i32
      %dma_start3A_78 = arith.constant 0 : i32
      %dma_start3A_79 = tpu.memref_slice %arg8[%dma_start3A_76, %dma_start3A_77, %dma_start3A_78] : memref<2x1000x32xf32, #tpu.memory_space<vmem>> -> memref<1x1000x32xf32, #tpu.memory_space<vmem>>
      %dma_start3A_80 = tpu.memref_squeeze %dma_start3A_79 : memref<1x1000x32xf32, #tpu.memory_space<vmem>> -> memref<1000x32xf32, #tpu.memory_space<vmem>>
      %dma_start3A_81 = arith.constant 0 : i32
      %dma_start3A_82 = tpu.memref_slice %arg6[%dma_start3A, %dma_start3A_81] : memref<2x1000xi32, #tpu.memory_space<vmem>> -> memref<1x1000xi32, #tpu.memory_space<vmem>>
      %dma_start3A_83 = tpu.memref_squeeze %dma_start3A_82 : memref<1x1000xi32, #tpu.memory_space<vmem>> -> memref<1000xi32, #tpu.memory_space<vmem>>
      %dma_start3A_84 = arith.constant 0 : i32
      %dma_start3A_85 = arith.constant 0 : i32
      %dma_start3A_86 = tpu.memref_slice %arg9[%dma_start3A_84, %dma_start3A_85] : memref<10008x32xf32, #tpu.memory_space<vmem_shared>> -> memref<10008x32xf32, #tpu.memory_space<vmem_shared>>
      tpu.enqueue_indirect_dma source(%dma_start3A_86 : memref<10008x32xf32, #tpu.memory_space<vmem_shared>>) target(%dma_start3A_80 : memref<1000x32xf32, #tpu.memory_space<vmem>>) offsets(%dma_start3A_83 : memref<1000xi32, #tpu.memory_space<vmem>>) semaphore(%arg11 : memref<!tpu.dma_semaphore, #tpu.memory_space<semaphore_mem>>)
      %dma_wait3A = arith.constant 0 : i32
      %dma_wait3A_87 = arith.constant 0 : i32
      %dma_wait3A_88 = arith.constant 0 : i32
      %dma_wait3A_89 = arith.constant 0 : i32
      %dma_wait3A_90 = tpu.memref_slice %arg8[%dma_wait3A_87, %dma_wait3A_88, %dma_wait3A_89] : memref<2x1000x32xf32, #tpu.memory_space<vmem>> -> memref<1x1000x32xf32, #tpu.memory_space<vmem>>
      %dma_wait3A_91 = tpu.memref_squeeze %dma_wait3A_90 : memref<1x1000x32xf32, #tpu.memory_space<vmem>> -> memref<1000x32xf32, #tpu.memory_space<vmem>>
      %dma_wait3A_92 = arith.constant 0 : i32
      %dma_wait3A_93 = tpu.memref_slice %arg6[%dma_wait3A, %dma_wait3A_92] : memref<2x1000xi32, #tpu.memory_space<vmem>> -> memref<1x1000xi32, #tpu.memory_space<vmem>>
      %dma_wait3A_94 = tpu.memref_squeeze %dma_wait3A_93 : memref<1x1000xi32, #tpu.memory_space<vmem>> -> memref<1000xi32, #tpu.memory_space<vmem>>
      %dma_wait3A_95 = arith.constant 0 : i32
      %dma_wait3A_96 = arith.constant 0 : i32
      %dma_wait3A_97 = tpu.memref_slice %arg9[%dma_wait3A_95, %dma_wait3A_96] : memref<10008x32xf32, #tpu.memory_space<vmem_shared>> -> memref<10008x32xf32, #tpu.memory_space<vmem_shared>>
      tpu.wait_indirect_dma semaphore(%arg11 : memref<!tpu.dma_semaphore, #tpu.memory_space<semaphore_mem>>) src(%dma_wait3A_97 : memref<10008x32xf32, #tpu.memory_space<vmem_shared>>) dst(%dma_wait3A_91 : memref<1000x32xf32, #tpu.memory_space<vmem>>)
      %dma_start3A_98 = arith.constant 0 : i32
      %dma_start3A_99 = arith.constant 0 : i32
      %dma_start3A_100 = arith.constant 0 : i32
      %dma_start3A_101 = arith.constant 0 : i32
      %dma_start3A_102 = tpu.memref_slice %arg8[%dma_start3A_98, %dma_start3A_100, %dma_start3A_101] : memref<2x1000x32xf32, #tpu.memory_space<vmem>> -> memref<1x1000x32xf32, #tpu.memory_space<vmem>>
      %dma_start3A_103 = tpu.memref_squeeze %dma_start3A_102 : memref<1x1000x32xf32, #tpu.memory_space<vmem>> -> memref<1000x32xf32, #tpu.memory_space<vmem>>
      %dma_start3A_104 = arith.constant 0 : i32
      %dma_start3A_105 = tpu.memref_slice %arg7[%dma_start3A_99, %dma_start3A_104] : memref<2x1000xi32, #tpu.memory_space<vmem>> -> memref<1x1000xi32, #tpu.memory_space<vmem>>
      %dma_start3A_106 = tpu.memref_squeeze %dma_start3A_105 : memref<1x1000xi32, #tpu.memory_space<vmem>> -> memref<1000xi32, #tpu.memory_space<vmem>>
      %dma_start3A_107 = arith.constant 0 : i32
      %dma_start3A_108 = arith.constant 0 : i32
      %dma_start3A_109 = tpu.memref_slice %arg10[%dma_start3A_107, %dma_start3A_108] : memref<10008x32xf32, #tpu.memory_space<vmem_shared>> -> memref<10008x32xf32, #tpu.memory_space<vmem_shared>>
      tpu.enqueue_indirect_dma source(%dma_start3A_103 : memref<1000x32xf32, #tpu.memory_space<vmem>>) target(%dma_start3A_109 : memref<10008x32xf32, #tpu.memory_space<vmem_shared>>) offsets(%dma_start3A_106 : memref<1000xi32, #tpu.memory_space<vmem>>) semaphore(%arg12 : memref<!tpu.dma_semaphore, #tpu.memory_space<semaphore_mem>>) {add = true}
      %dma_start3A_110 = arith.constant 1 : i32
      %dma_start3A_111 = arith.constant 1 : i32
      %dma_start3A_112 = arith.constant 0 : i32
      %dma_start3A_113 = arith.constant 0 : i32
      %dma_start3A_114 = tpu.memref_slice %arg8[%dma_start3A_111, %dma_start3A_112, %dma_start3A_113] : memref<2x1000x32xf32, #tpu.memory_space<vmem>> -> memref<1x1000x32xf32, #tpu.memory_space<vmem>>
      %dma_start3A_115 = tpu.memref_squeeze %dma_start3A_114 : memref<1x1000x32xf32, #tpu.memory_space<vmem>> -> memref<1000x32xf32, #tpu.memory_space<vmem>>
      %dma_start3A_116 = arith.constant 0 : i32
      %dma_start3A_117 = tpu.memref_slice %arg6[%dma_start3A_110, %dma_start3A_116] : memref<2x1000xi32, #tpu.memory_space<vmem>> -> memref<1x1000xi32, #tpu.memory_space<vmem>>
      %dma_start3A_118 = tpu.memref_squeeze %dma_start3A_117 : memref<1x1000xi32, #tpu.memory_space<vmem>> -> memref<1000xi32, #tpu.memory_space<vmem>>
      %dma_start3A_119 = arith.constant 0 : i32
      %dma_start3A_120 = arith.constant 0 : i32
      %dma_start3A_121 = tpu.memref_slice %arg9[%dma_start3A_119, %dma_start3A_120] : memref<10008x32xf32, #tpu.memory_space<vmem_shared>> -> memref<10008x32xf32, #tpu.memory_space<vmem_shared>>
      tpu.enqueue_indirect_dma source(%dma_start3A_121 : memref<10008x32xf32, #tpu.memory_space<vmem_shared>>) target(%dma_start3A_115 : memref<1000x32xf32, #tpu.memory_space<vmem>>) offsets(%dma_start3A_118 : memref<1000xi32, #tpu.memory_space<vmem>>) semaphore(%arg11 : memref<!tpu.dma_semaphore, #tpu.memory_space<semaphore_mem>>)
      %dma_wait3A_122 = arith.constant 1 : i32
      %dma_wait3A_123 = arith.constant 1 : i32
      %dma_wait3A_124 = arith.constant 0 : i32
      %dma_wait3A_125 = arith.constant 0 : i32
      %dma_wait3A_126 = tpu.memref_slice %arg8[%dma_wait3A_123, %dma_wait3A_124, %dma_wait3A_125] : memref<2x1000x32xf32, #tpu.memory_space<vmem>> -> memref<1x1000x32xf32, #tpu.memory_space<vmem>>
      %dma_wait3A_127 = tpu.memref_squeeze %dma_wait3A_126 : memref<1x1000x32xf32, #tpu.memory_space<vmem>> -> memref<1000x32xf32, #tpu.memory_space<vmem>>
      %dma_wait3A_128 = arith.constant 0 : i32
      %dma_wait3A_129 = tpu.memref_slice %arg6[%dma_wait3A_122, %dma_wait3A_128] : memref<2x1000xi32, #tpu.memory_space<vmem>> -> memref<1x1000xi32, #tpu.memory_space<vmem>>
      %dma_wait3A_130 = tpu.memref_squeeze %dma_wait3A_129 : memref<1x1000xi32, #tpu.memory_space<vmem>> -> memref<1000xi32, #tpu.memory_space<vmem>>
      %dma_wait3A_131 = arith.constant 0 : i32
      %dma_wait3A_132 = arith.constant 0 : i32
      %dma_wait3A_133 = tpu.memref_slice %arg9[%dma_wait3A_131, %dma_wait3A_132] : memref<10008x32xf32, #tpu.memory_space<vmem_shared>> -> memref<10008x32xf32, #tpu.memory_space<vmem_shared>>
      tpu.wait_indirect_dma semaphore(%arg11 : memref<!tpu.dma_semaphore, #tpu.memory_space<semaphore_mem>>) src(%dma_wait3A_133 : memref<10008x32xf32, #tpu.memory_space<vmem_shared>>) dst(%dma_wait3A_127 : memref<1000x32xf32, #tpu.memory_space<vmem>>)
      %dma_start3A_134 = arith.constant 1 : i32
      %dma_start3A_135 = arith.constant 1 : i32
      %dma_start3A_136 = arith.constant 0 : i32
      %dma_start3A_137 = arith.constant 0 : i32
      %dma_start3A_138 = tpu.memref_slice %arg8[%dma_start3A_134, %dma_start3A_136, %dma_start3A_137] : memref<2x1000x32xf32, #tpu.memory_space<vmem>> -> memref<1x1000x32xf32, #tpu.memory_space<vmem>>
      %dma_start3A_139 = tpu.memref_squeeze %dma_start3A_138 : memref<1x1000x32xf32, #tpu.memory_space<vmem>> -> memref<1000x32xf32, #tpu.memory_space<vmem>>
      %dma_start3A_140 = arith.constant 0 : i32
      %dma_start3A_141 = tpu.memref_slice %arg7[%dma_start3A_135, %dma_start3A_140] : memref<2x1000xi32, #tpu.memory_space<vmem>> -> memref<1x1000xi32, #tpu.memory_space<vmem>>
      %dma_start3A_142 = tpu.memref_squeeze %dma_start3A_141 : memref<1x1000xi32, #tpu.memory_space<vmem>> -> memref<1000xi32, #tpu.memory_space<vmem>>
      %dma_start3A_143 = arith.constant 0 : i32
      %dma_start3A_144 = arith.constant 0 : i32
      %dma_start3A_145 = tpu.memref_slice %arg10[%dma_start3A_143, %dma_start3A_144] : memref<10008x32xf32, #tpu.memory_space<vmem_shared>> -> memref<10008x32xf32, #tpu.memory_space<vmem_shared>>
      tpu.enqueue_indirect_dma source(%dma_start3A_139 : memref<1000x32xf32, #tpu.memory_space<vmem>>) target(%dma_start3A_145 : memref<10008x32xf32, #tpu.memory_space<vmem_shared>>) offsets(%dma_start3A_142 : memref<1000xi32, #tpu.memory_space<vmem>>) semaphore(%arg12 : memref<!tpu.dma_semaphore, #tpu.memory_space<semaphore_mem>>) {add = true}
      %dma_wait3A_146 = arith.constant 0 : i32
      %dma_wait3A_147 = arith.constant 0 : i32
      %dma_wait3A_148 = arith.constant 0 : i32
      %dma_wait3A_149 = arith.constant 0 : i32
      %dma_wait3A_150 = tpu.memref_slice %arg8[%dma_wait3A_146, %dma_wait3A_148, %dma_wait3A_149] : memref<2x1000x32xf32, #tpu.memory_space<vmem>> -> memref<1x1000x32xf32, #tpu.memory_space<vmem>>
      %dma_wait3A_151 = tpu.memref_squeeze %dma_wait3A_150 : memref<1x1000x32xf32, #tpu.memory_space<vmem>> -> memref<1000x32xf32, #tpu.memory_space<vmem>>
      %dma_wait3A_152 = arith.constant 0 : i32
      %dma_wait3A_153 = tpu.memref_slice %arg7[%dma_wait3A_147, %dma_wait3A_152] : memref<2x1000xi32, #tpu.memory_space<vmem>> -> memref<1x1000xi32, #tpu.memory_space<vmem>>
      %dma_wait3A_154 = tpu.memref_squeeze %dma_wait3A_153 : memref<1x1000xi32, #tpu.memory_space<vmem>> -> memref<1000xi32, #tpu.memory_space<vmem>>
      %dma_wait3A_155 = arith.constant 0 : i32
      %dma_wait3A_156 = arith.constant 0 : i32
      %dma_wait3A_157 = tpu.memref_slice %arg10[%dma_wait3A_155, %dma_wait3A_156] : memref<10008x32xf32, #tpu.memory_space<vmem_shared>> -> memref<10008x32xf32, #tpu.memory_space<vmem_shared>>
      tpu.wait_indirect_dma semaphore(%arg12 : memref<!tpu.dma_semaphore, #tpu.memory_space<semaphore_mem>>) src(%dma_wait3A_151 : memref<1000x32xf32, #tpu.memory_space<vmem>>) dst(%dma_wait3A_157 : memref<10008x32xf32, #tpu.memory_space<vmem_shared>>)
      %dma_wait3A_158 = arith.constant 1 : i32
      %dma_wait3A_159 = arith.constant 1 : i32
      %dma_wait3A_160 = arith.constant 0 : i32
      %dma_wait3A_161 = arith.constant 0 : i32
      %dma_wait3A_162 = tpu.memref_slice %arg8[%dma_wait3A_158, %dma_wait3A_160, %dma_wait3A_161] : memref<2x1000x32xf32, #tpu.memory_space<vmem>> -> memref<1x1000x32xf32, #tpu.memory_space<vmem>>
      %dma_wait3A_163 = tpu.memref_squeeze %dma_wait3A_162 : memref<1x1000x32xf32, #tpu.memory_space<vmem>> -> memref<1000x32xf32, #tpu.memory_space<vmem>>
      %dma_wait3A_164 = arith.constant 0 : i32
      %dma_wait3A_165 = tpu.memref_slice %arg7[%dma_wait3A_159, %dma_wait3A_164] : memref<2x1000xi32, #tpu.memory_space<vmem>> -> memref<1x1000xi32, #tpu.memory_space<vmem>>
      %dma_wait3A_166 = tpu.memref_squeeze %dma_wait3A_165 : memref<1x1000xi32, #tpu.memory_space<vmem>> -> memref<1000xi32, #tpu.memory_space<vmem>>
      %dma_wait3A_167 = arith.constant 0 : i32
      %dma_wait3A_168 = arith.constant 0 : i32
      %dma_wait3A_169 = tpu.memref_slice %arg10[%dma_wait3A_167, %dma_wait3A_168] : memref<10008x32xf32, #tpu.memory_space<vmem_shared>> -> memref<10008x32xf32, #tpu.memory_space<vmem_shared>>
      tpu.wait_indirect_dma semaphore(%arg12 : memref<!tpu.dma_semaphore, #tpu.memory_space<semaphore_mem>>) src(%dma_wait3A_163 : memref<1000x32xf32, #tpu.memory_space<vmem>>) dst(%dma_wait3A_169 : memref<10008x32xf32, #tpu.memory_space<vmem_shared>>)
    }
    %scan3A_56 = arith.constant 10 : i32
    %barrier3A_57 = arith.constant 0 : index
    tpu.barrier barrier_id(%barrier3A_57)
    %lt3A_58 = arith.constant 15 : i32
    %lt3A_59 = arith.cmpi slt, %arg1, %lt3A_58 : i32
    %convert_element_type3A_60 = arith.extui %lt3A_59 : i1 to i32
    %cond3A_61 = arith.constant 0 : i32
    %cond3A_62 = arith.cmpi ne, %convert_element_type3A_60, %cond3A_61 : i32
    scf.if %cond3A_62 {
      "tpu.region"() ({
        %run_scoped3A = tpu.sem_alloc : memref<!tpu.dma_semaphore, #tpu.memory_space<semaphore_mem>>
        %dma_start3A = tpu.memref_slice %arg5[%multiple_of3A, %multiple_of3A_39] : memref<10000x128xf32, #tpu.memory_space<hbm>> -> memref<640x32xf32, #tpu.memory_space<hbm>>
        %dma_start3A_69 = arith.constant 0 : i32
        %dma_start3A_70 = tpu.memref_slice %arg10[%multiple_of3A, %dma_start3A_69] : memref<10008x32xf32, #tpu.memory_space<vmem_shared>> -> memref<640x32xf32, #tpu.memory_space<vmem_shared>>
        tpu.enqueue_dma source(%dma_start3A_70 : memref<640x32xf32, #tpu.memory_space<vmem_shared>>) target(%dma_start3A : memref<640x32xf32, #tpu.memory_space<hbm>>) target_semaphore(%run_scoped3A : memref<!tpu.dma_semaphore, #tpu.memory_space<semaphore_mem>>)
        %dma_wait3A = tpu.memref_slice %arg5[%multiple_of3A, %multiple_of3A_39] : memref<10000x128xf32, #tpu.memory_space<hbm>> -> memref<640x32xf32, #tpu.memory_space<hbm>>
        %dma_wait3A_71 = arith.constant 0 : i32
        %dma_wait3A_72 = tpu.memref_slice %arg10[%multiple_of3A, %dma_wait3A_71] : memref<10008x32xf32, #tpu.memory_space<vmem_shared>> -> memref<640x32xf32, #tpu.memory_space<vmem_shared>>
        tpu.wait_dma2 semaphore(%run_scoped3A : memref<!tpu.dma_semaphore, #tpu.memory_space<semaphore_mem>>) src(%dma_wait3A_72 : memref<640x32xf32, #tpu.memory_space<vmem_shared>>) dst(%dma_wait3A : memref<640x32xf32, #tpu.memory_space<hbm>>)
        tpu.yield
      }) : () -> ()
    } else {
    }
    %eq3A_63 = arith.constant 15 : i32
    %eq3A_64 = arith.cmpi eq, %arg1, %eq3A_63 : i32
    %convert_element_type3A_65 = arith.extui %eq3A_64 : i1 to i32
    %cond3A_66 = arith.constant 0 : i32
    %cond3A_67 = arith.cmpi ne, %convert_element_type3A_65, %cond3A_66 : i32
    scf.if %cond3A_67 {
      "tpu.region"() ({
        %run_scoped3A = tpu.sem_alloc : memref<!tpu.dma_semaphore, #tpu.memory_space<semaphore_mem>>
        %dma_start3A = tpu.memref_slice %arg5[%multiple_of3A, %multiple_of3A_39] : memref<10000x128xf32, #tpu.memory_space<hbm>> -> memref<400x32xf32, #tpu.memory_space<hbm>>
        %dma_start3A_69 = arith.constant 0 : i32
        %dma_start3A_70 = tpu.memref_slice %arg10[%multiple_of3A, %dma_start3A_69] : memref<10008x32xf32, #tpu.memory_space<vmem_shared>> -> memref<400x32xf32, #tpu.memory_space<vmem_shared>>
        tpu.enqueue_dma source(%dma_start3A_70 : memref<400x32xf32, #tpu.memory_space<vmem_shared>>) target(%dma_start3A : memref<400x32xf32, #tpu.memory_space<hbm>>) target_semaphore(%run_scoped3A : memref<!tpu.dma_semaphore, #tpu.memory_space<semaphore_mem>>)
        %dma_wait3A = tpu.memref_slice %arg5[%multiple_of3A, %multiple_of3A_39] : memref<10000x128xf32, #tpu.memory_space<hbm>> -> memref<400x32xf32, #tpu.memory_space<hbm>>
        %dma_wait3A_71 = arith.constant 0 : i32
        %dma_wait3A_72 = tpu.memref_slice %arg10[%multiple_of3A, %dma_wait3A_71] : memref<10008x32xf32, #tpu.memory_space<vmem_shared>> -> memref<400x32xf32, #tpu.memory_space<vmem_shared>>
        tpu.wait_dma2 semaphore(%run_scoped3A : memref<!tpu.dma_semaphore, #tpu.memory_space<semaphore_mem>>) src(%dma_wait3A_72 : memref<400x32xf32, #tpu.memory_space<vmem_shared>>) dst(%dma_wait3A : memref<400x32xf32, #tpu.memory_space<hbm>>)
        tpu.yield
      }) : () -> ()
    } else {
    }
    %barrier3A_68 = arith.constant 0 : index
    tpu.barrier barrier_id(%barrier3A_68)
    return
  }
}

module attributes {stable_mosaic.version = 14 : i64} {
  func.func @_bnrelu_body(%arg0: i32, %arg1: memref<1000x128xf32, #tpu.memory_space<vmem>>, %arg2: memref<1x128xf32, #tpu.memory_space<vmem>>, %arg3: memref<1x128xf32, #tpu.memory_space<vmem>>, %arg4: memref<1x128xf32, #tpu.memory_space<vmem>>, %arg5: memref<1x128xf32, #tpu.memory_space<vmem>>, %arg6: memref<1000x128xf32, #tpu.memory_space<vmem>>) attributes {dimension_semantics = [#tpu.dimension_semantics<arbitrary>], iteration_bounds = array<i64: 10>, scalar_prefetch = 0 : i64, scratch_operands = 0 : i64, tpu.core_type = #tpu.core_type<tc>, window_params = [{transform_indices = @transform_0, window_bounds = array<i64: 1000, 128>}, {pipeline_mode = #tpu.pipeline_mode<synchronous>, transform_indices = @transform_1, window_bounds = array<i64: 1, 128>}, {pipeline_mode = #tpu.pipeline_mode<synchronous>, transform_indices = @transform_2, window_bounds = array<i64: 1, 128>}, {pipeline_mode = #tpu.pipeline_mode<synchronous>, transform_indices = @transform_3, window_bounds = array<i64: 1, 128>}, {pipeline_mode = #tpu.pipeline_mode<synchronous>, transform_indices = @transform_4, window_bounds = array<i64: 1, 128>}, {transform_indices = @transform_5, window_bounds = array<i64: 1000, 128>}]} {
    %get3A = arith.constant 0 : index
    %get3A_0 = arith.constant 0 : index
    %get3A_1 = vector.load %arg2[%get3A, %get3A_0] : memref<1x128xf32, #tpu.memory_space<vmem>>, vector<1x128xf32>
    %mul3A = arith.constant 9.99999974E-5 : f32
    %mul3A_2 = vector.broadcast %mul3A : f32 to vector<1x128xf32>
    %mul3A_3 = arith.mulf %get3A_1, %mul3A_2 : vector<1x128xf32>
    %get3A_4 = arith.constant 0 : index
    %get3A_5 = arith.constant 0 : index
    %get3A_6 = vector.load %arg3[%get3A_4, %get3A_5] : memref<1x128xf32, #tpu.memory_space<vmem>>, vector<1x128xf32>
    %mul3A_7 = arith.constant 9.99999974E-5 : f32
    %mul3A_8 = vector.broadcast %mul3A_7 : f32 to vector<1x128xf32>
    %mul3A_9 = arith.mulf %get3A_6, %mul3A_8 : vector<1x128xf32>
    %mul3A_10 = arith.mulf %mul3A_3, %mul3A_3 : vector<1x128xf32>
    %sub3A = arith.subf %mul3A_9, %mul3A_10 : vector<1x128xf32>
    %get3A_11 = arith.constant 0 : index
    %get3A_12 = arith.constant 0 : index
    %get3A_13 = vector.load %arg4[%get3A_11, %get3A_12] : memref<1x128xf32, #tpu.memory_space<vmem>>, vector<1x128xf32>
    %add3A = arith.constant 9.99999974E-6 : f32
    %add3A_14 = vector.broadcast %add3A : f32 to vector<1x128xf32>
    %add3A_15 = arith.addf %sub3A, %add3A_14 : vector<1x128xf32>
    %rsqrt3A = math.rsqrt %add3A_15 : vector<1x128xf32>
    %mul3A_16 = arith.mulf %get3A_13, %rsqrt3A : vector<1x128xf32>
    %get3A_17 = arith.constant 0 : index
    %get3A_18 = arith.constant 0 : index
    %get3A_19 = vector.load %arg5[%get3A_17, %get3A_18] : memref<1x128xf32, #tpu.memory_space<vmem>>, vector<1x128xf32>
    %mul3A_20 = arith.mulf %mul3A_3, %mul3A_16 : vector<1x128xf32>
    %sub3A_21 = arith.subf %get3A_19, %mul3A_20 : vector<1x128xf32>
    %get3A_22 = arith.constant 0 : index
    %get3A_23 = arith.constant 0 : index
    %get3A_24 = vector.load %arg1[%get3A_22, %get3A_23] : memref<1000x128xf32, #tpu.memory_space<vmem>>, vector<1000x128xf32>
    %mul3A_25 = vector.broadcast %mul3A_16 : vector<1x128xf32> to vector<1000x128xf32>
    %mul3A_26 = arith.mulf %get3A_24, %mul3A_25 : vector<1000x128xf32>
    %add3A_27 = vector.broadcast %sub3A_21 : vector<1x128xf32> to vector<1000x128xf32>
    %add3A_28 = arith.addf %mul3A_26, %add3A_27 : vector<1000x128xf32>
    %max3A = arith.constant 0.000000e+00 : f32
    %max3A_29 = vector.broadcast %max3A : f32 to vector<1000x128xf32>
    %max3A_30 = arith.maximumf %add3A_28, %max3A_29 : vector<1000x128xf32>
    %swap3A = arith.constant 0 : index
    %swap3A_31 = arith.constant 0 : index
    %swap3A_32 = vector.load %arg6[%swap3A, %swap3A_31] : memref<1000x128xf32, #tpu.memory_space<vmem>>, vector<1000x128xf32>
    tpu.vector_store %arg6[%swap3A, %swap3A_31], %max3A_30 {strides = array<i32>} : memref<1000x128xf32, #tpu.memory_space<vmem>>, vector<1000x128xf32>,
    return
  }
  func.func @transform_0(%arg0: i32) -> (i32, i32) {
    %c0_i32 = arith.constant 0 : i32
    %c0_i32_0 = arith.constant 0 : i32
    return %arg0, %c0_i32 : i32, i32
  }
  func.func @transform_1(%arg0: i32) -> (i32, i32) {
    %c0_i32 = arith.constant 0 : i32
    %c0_i32_0 = arith.constant 0 : i32
    %c0_i32_1 = arith.constant 0 : i32
    return %c0_i32, %c0_i32_0 : i32, i32
  }
  func.func @transform_2(%arg0: i32) -> (i32, i32) {
    %c0_i32 = arith.constant 0 : i32
    %c0_i32_0 = arith.constant 0 : i32
    %c0_i32_1 = arith.constant 0 : i32
    return %c0_i32, %c0_i32_0 : i32, i32
  }
  func.func @transform_3(%arg0: i32) -> (i32, i32) {
    %c0_i32 = arith.constant 0 : i32
    %c0_i32_0 = arith.constant 0 : i32
    %c0_i32_1 = arith.constant 0 : i32
    return %c0_i32, %c0_i32_0 : i32, i32
  }
  func.func @transform_4(%arg0: i32) -> (i32, i32) {
    %c0_i32 = arith.constant 0 : i32
    %c0_i32_0 = arith.constant 0 : i32
    %c0_i32_1 = arith.constant 0 : i32
    return %c0_i32, %c0_i32_0 : i32, i32
  }
  func.func @transform_5(%arg0: i32) -> (i32, i32) {
    %c0_i32 = arith.constant 0 : i32
    %c0_i32_0 = arith.constant 0 : i32
    return %arg0, %c0_i32 : i32, i32
  }
}

module attributes {stable_mosaic.version = 14 : i64} {
  func.func @_mlp_body(%arg0: i32, %arg1: memref<1000x128xf32, #tpu.memory_space<vmem>>, %arg2: memref<128x128xf32, #tpu.memory_space<vmem>>, %arg3: memref<1x128xf32, #tpu.memory_space<vmem>>, %arg4: memref<128x128xf32, #tpu.memory_space<vmem>>, %arg5: memref<1x128xf32, #tpu.memory_space<vmem>>, %arg6: memref<1000x128xf32, #tpu.memory_space<vmem>>, %arg7: memref<1x128xf32, #tpu.memory_space<vmem>>, %arg8: memref<1x128xf32, #tpu.memory_space<vmem>>) attributes {dimension_semantics = [#tpu.dimension_semantics<arbitrary>], iteration_bounds = array<i64: 10>, scalar_prefetch = 0 : i64, scratch_operands = 0 : i64, tpu.core_type = #tpu.core_type<tc>, window_params = [{transform_indices = @transform_0, window_bounds = array<i64: 1000, 128>}, {pipeline_mode = #tpu.pipeline_mode<synchronous>, transform_indices = @transform_1, window_bounds = array<i64: 128, 128>}, {pipeline_mode = #tpu.pipeline_mode<synchronous>, transform_indices = @transform_2, window_bounds = array<i64: 1, 128>}, {pipeline_mode = #tpu.pipeline_mode<synchronous>, transform_indices = @transform_3, window_bounds = array<i64: 128, 128>}, {pipeline_mode = #tpu.pipeline_mode<synchronous>, transform_indices = @transform_4, window_bounds = array<i64: 1, 128>}, {transform_indices = @transform_5, window_bounds = array<i64: 1000, 128>}, {pipeline_mode = #tpu.pipeline_mode<synchronous>, transform_indices = @transform_6, window_bounds = array<i64: 1, 128>}, {pipeline_mode = #tpu.pipeline_mode<synchronous>, transform_indices = @transform_7, window_bounds = array<i64: 1, 128>}]} {
    %get3A = arith.constant 0 : index
    %get3A_0 = arith.constant 0 : index
    %get3A_1 = vector.load %arg1[%get3A, %get3A_0] : memref<1000x128xf32, #tpu.memory_space<vmem>>, vector<1000x128xf32>
    %get3A_2 = arith.constant 0 : index
    %get3A_3 = arith.constant 0 : index
    %get3A_4 = vector.load %arg2[%get3A_2, %get3A_3] : memref<128x128xf32, #tpu.memory_space<vmem>>, vector<128x128xf32>
    %dot_general3A = arith.constant dense<0.000000e+00> : vector<1000x128xf32>
    %dot_general3A_5 = tpu.matmul %get3A_1, %get3A_4, %dot_general3A {dimension_numbers = #tpu.dot_dimension_numbers<[1], [0], [0], [1], [0, 0, 1, 1], [], []>, transpose_lhs_hint = false} : vector<1000x128xf32>, vector<128x128xf32>, vector<1000x128xf32> -> vector<1000x128xf32>
    %get3A_6 = arith.constant 0 : index
    %get3A_7 = arith.constant 0 : index
    %get3A_8 = vector.load %arg3[%get3A_6, %get3A_7] : memref<1x128xf32, #tpu.memory_space<vmem>>, vector<1x128xf32>
    %add3A = vector.broadcast %get3A_8 : vector<1x128xf32> to vector<1000x128xf32>
    %add3A_9 = arith.addf %dot_general3A_5, %add3A : vector<1000x128xf32>
    %max3A = arith.constant 0.000000e+00 : f32
    %max3A_10 = vector.broadcast %max3A : f32 to vector<1000x128xf32>
    %max3A_11 = arith.maximumf %add3A_9, %max3A_10 : vector<1000x128xf32>
    %get3A_12 = arith.constant 0 : index
    %get3A_13 = arith.constant 0 : index
    %get3A_14 = vector.load %arg4[%get3A_12, %get3A_13] : memref<128x128xf32, #tpu.memory_space<vmem>>, vector<128x128xf32>
    %dot_general3A_15 = arith.constant dense<0.000000e+00> : vector<1000x128xf32>
    %dot_general3A_16 = tpu.matmul %max3A_11, %get3A_14, %dot_general3A_15 {dimension_numbers = #tpu.dot_dimension_numbers<[1], [0], [0], [1], [0, 0, 1, 1], [], []>, transpose_lhs_hint = false} : vector<1000x128xf32>, vector<128x128xf32>, vector<1000x128xf32> -> vector<1000x128xf32>
    %get3A_17 = arith.constant 0 : index
    %get3A_18 = arith.constant 0 : index
    %get3A_19 = vector.load %arg5[%get3A_17, %get3A_18] : memref<1x128xf32, #tpu.memory_space<vmem>>, vector<1x128xf32>
    %add3A_20 = vector.broadcast %get3A_19 : vector<1x128xf32> to vector<1000x128xf32>
    %add3A_21 = arith.addf %dot_general3A_16, %add3A_20 : vector<1000x128xf32>
    %swap3A = arith.constant 0 : index
    %swap3A_22 = arith.constant 0 : index
    %swap3A_23 = vector.load %arg6[%swap3A, %swap3A_22] : memref<1000x128xf32, #tpu.memory_space<vmem>>, vector<1000x128xf32>
    tpu.vector_store %arg6[%swap3A, %swap3A_22], %add3A_21 {strides = array<i32>} : memref<1000x128xf32, #tpu.memory_space<vmem>>, vector<1000x128xf32>,
    %eq3A = arith.constant 0 : i32
    %eq3A_24 = arith.cmpi eq, %arg0, %eq3A : i32
    %convert_element_type3A = arith.extui %eq3A_24 : i1 to i32
    %cond3A = arith.constant 0 : i32
    %cond3A_25 = arith.cmpi ne, %convert_element_type3A, %cond3A : i32
    scf.if %cond3A_25 {
      %broadcast_in_dim3A_44 = arith.constant 0.000000e+00 : f32
      %broadcast_in_dim3A_45 = vector.broadcast %broadcast_in_dim3A_44 : f32 to vector<1x128xf32>
      %swap3A_46 = arith.constant 0 : index
      %swap3A_47 = arith.constant 0 : index
      %swap3A_48 = vector.load %arg7[%swap3A_46, %swap3A_47] : memref<1x128xf32, #tpu.memory_space<vmem>>, vector<1x128xf32>
      tpu.vector_store %arg7[%swap3A_46, %swap3A_47], %broadcast_in_dim3A_45 {strides = array<i32>} : memref<1x128xf32, #tpu.memory_space<vmem>>, vector<1x128xf32>,
      %broadcast_in_dim3A_49 = arith.constant 0.000000e+00 : f32
      %broadcast_in_dim3A_50 = vector.broadcast %broadcast_in_dim3A_49 : f32 to vector<1x128xf32>
      %swap3A_51 = arith.constant 0 : index
      %swap3A_52 = arith.constant 0 : index
      %swap3A_53 = vector.load %arg8[%swap3A_51, %swap3A_52] : memref<1x128xf32, #tpu.memory_space<vmem>>, vector<1x128xf32>
      tpu.vector_store %arg8[%swap3A_51, %swap3A_52], %broadcast_in_dim3A_50 {strides = array<i32>} : memref<1x128xf32, #tpu.memory_space<vmem>>, vector<1x128xf32>,
    } else {
    }
    %get3A_26 = arith.constant 0 : index
    %get3A_27 = arith.constant 0 : index
    %get3A_28 = vector.load %arg7[%get3A_26, %get3A_27] : memref<1x128xf32, #tpu.memory_space<vmem>>, vector<1x128xf32>
    %reduce_sum3A = arith.constant dense<0.000000e+00> : vector<128xf32>
    %reduce_sum3A_29 = vector.multi_reduction <add>, %add3A_21, %reduce_sum3A [0] : vector<1000x128xf32> to vector<128xf32>
    %broadcast_in_dim3A = vector.shape_cast %reduce_sum3A_29 : vector<128xf32> to vector<1x128xf32>
    %add3A_30 = arith.addf %get3A_28, %broadcast_in_dim3A : vector<1x128xf32>
    %swap3A_31 = arith.constant 0 : index
    %swap3A_32 = arith.constant 0 : index
    %swap3A_33 = vector.load %arg7[%swap3A_31, %swap3A_32] : memref<1x128xf32, #tpu.memory_space<vmem>>, vector<1x128xf32>
    tpu.vector_store %arg7[%swap3A_31, %swap3A_32], %add3A_30 {strides = array<i32>} : memref<1x128xf32, #tpu.memory_space<vmem>>, vector<1x128xf32>,
    %get3A_34 = arith.constant 0 : index
    %get3A_35 = arith.constant 0 : index
    %get3A_36 = vector.load %arg8[%get3A_34, %get3A_35] : memref<1x128xf32, #tpu.memory_space<vmem>>, vector<1x128xf32>
    %mul3A = arith.mulf %add3A_21, %add3A_21 : vector<1000x128xf32>
    %reduce_sum3A_37 = arith.constant dense<0.000000e+00> : vector<128xf32>
    %reduce_sum3A_38 = vector.multi_reduction <add>, %mul3A, %reduce_sum3A_37 [0] : vector<1000x128xf32> to vector<128xf32>
    %broadcast_in_dim3A_39 = vector.shape_cast %reduce_sum3A_38 : vector<128xf32> to vector<1x128xf32>
    %add3A_40 = arith.addf %get3A_36, %broadcast_in_dim3A_39 : vector<1x128xf32>
    %swap3A_41 = arith.constant 0 : index
    %swap3A_42 = arith.constant 0 : index
    %swap3A_43 = vector.load %arg8[%swap3A_41, %swap3A_42] : memref<1x128xf32, #tpu.memory_space<vmem>>, vector<1x128xf32>
    tpu.vector_store %arg8[%swap3A_41, %swap3A_42], %add3A_40 {strides = array<i32>} : memref<1x128xf32, #tpu.memory_space<vmem>>, vector<1x128xf32>,
    return
  }
  func.func @transform_0(%arg0: i32) -> (i32, i32) {
    %c0_i32 = arith.constant 0 : i32
    %c0_i32_0 = arith.constant 0 : i32
    return %arg0, %c0_i32 : i32, i32
  }
  func.func @transform_1(%arg0: i32) -> (i32, i32) {
    %c0_i32 = arith.constant 0 : i32
    %c0_i32_0 = arith.constant 0 : i32
    %c0_i32_1 = arith.constant 0 : i32
    return %c0_i32, %c0_i32_0 : i32, i32
  }
  func.func @transform_2(%arg0: i32) -> (i32, i32) {
    %c0_i32 = arith.constant 0 : i32
    %c0_i32_0 = arith.constant 0 : i32
    %c0_i32_1 = arith.constant 0 : i32
    return %c0_i32, %c0_i32_0 : i32, i32
  }
  func.func @transform_3(%arg0: i32) -> (i32, i32) {
    %c0_i32 = arith.constant 0 : i32
    %c0_i32_0 = arith.constant 0 : i32
    %c0_i32_1 = arith.constant 0 : i32
    return %c0_i32, %c0_i32_0 : i32, i32
  }
  func.func @transform_4(%arg0: i32) -> (i32, i32) {
    %c0_i32 = arith.constant 0 : i32
    %c0_i32_0 = arith.constant 0 : i32
    %c0_i32_1 = arith.constant 0 : i32
    return %c0_i32, %c0_i32_0 : i32, i32
  }
  func.func @transform_5(%arg0: i32) -> (i32, i32) {
    %c0_i32 = arith.constant 0 : i32
    %c0_i32_0 = arith.constant 0 : i32
    return %arg0, %c0_i32 : i32, i32
  }
  func.func @transform_6(%arg0: i32) -> (i32, i32) {
    %c0_i32 = arith.constant 0 : i32
    %c0_i32_0 = arith.constant 0 : i32
    %c0_i32_1 = arith.constant 0 : i32
    return %c0_i32, %c0_i32_0 : i32, i32
  }
  func.func @transform_7(%arg0: i32) -> (i32, i32) {
    %c0_i32 = arith.constant 0 : i32
    %c0_i32_0 = arith.constant 0 : i32
    %c0_i32_1 = arith.constant 0 : i32
    return %c0_i32, %c0_i32_0 : i32, i32
  }
}

module attributes {stable_mosaic.version = 14 : i64} {
  func.func @_head_body(%arg0: i32, %arg1: memref<1000x128xf32, #tpu.memory_space<vmem>>, %arg2: memref<1x128xf32, #tpu.memory_space<vmem>>, %arg3: memref<1x128xf32, #tpu.memory_space<vmem>>, %arg4: memref<1x128xf32, #tpu.memory_space<vmem>>, %arg5: memref<1x128xf32, #tpu.memory_space<vmem>>, %arg6: memref<128x128xf32, #tpu.memory_space<vmem>>, %arg7: memref<1x128xf32, #tpu.memory_space<vmem>>, %arg8: memref<128x10xf32, #tpu.memory_space<vmem>>, %arg9: memref<1x10xf32, #tpu.memory_space<vmem>>, %arg10: memref<1000x128xf32, #tpu.memory_space<vmem>>, %arg11: memref<1000x10xf32, #tpu.memory_space<vmem>>) attributes {dimension_semantics = [#tpu.dimension_semantics<arbitrary>], iteration_bounds = array<i64: 10>, scalar_prefetch = 0 : i64, scratch_operands = 0 : i64, tpu.core_type = #tpu.core_type<tc>, window_params = [{transform_indices = @transform_0, window_bounds = array<i64: 1000, 128>}, {pipeline_mode = #tpu.pipeline_mode<synchronous>, transform_indices = @transform_1, window_bounds = array<i64: 1, 128>}, {pipeline_mode = #tpu.pipeline_mode<synchronous>, transform_indices = @transform_2, window_bounds = array<i64: 1, 128>}, {pipeline_mode = #tpu.pipeline_mode<synchronous>, transform_indices = @transform_3, window_bounds = array<i64: 1, 128>}, {pipeline_mode = #tpu.pipeline_mode<synchronous>, transform_indices = @transform_4, window_bounds = array<i64: 1, 128>}, {pipeline_mode = #tpu.pipeline_mode<synchronous>, transform_indices = @transform_5, window_bounds = array<i64: 128, 128>}, {pipeline_mode = #tpu.pipeline_mode<synchronous>, transform_indices = @transform_6, window_bounds = array<i64: 1, 128>}, {pipeline_mode = #tpu.pipeline_mode<synchronous>, transform_indices = @transform_7, window_bounds = array<i64: 128, 10>}, {pipeline_mode = #tpu.pipeline_mode<synchronous>, transform_indices = @transform_8, window_bounds = array<i64: 1, 10>}, {transform_indices = @transform_9, window_bounds = array<i64: 1000, 128>}, {transform_indices = @transform_10, window_bounds = array<i64: 1000, 10>}]} {
    %get3A = arith.constant 0 : index
    %get3A_0 = arith.constant 0 : index
    %get3A_1 = vector.load %arg2[%get3A, %get3A_0] : memref<1x128xf32, #tpu.memory_space<vmem>>, vector<1x128xf32>
    %mul3A = arith.constant 9.99999974E-5 : f32
    %mul3A_2 = vector.broadcast %mul3A : f32 to vector<1x128xf32>
    %mul3A_3 = arith.mulf %get3A_1, %mul3A_2 : vector<1x128xf32>
    %get3A_4 = arith.constant 0 : index
    %get3A_5 = arith.constant 0 : index
    %get3A_6 = vector.load %arg3[%get3A_4, %get3A_5] : memref<1x128xf32, #tpu.memory_space<vmem>>, vector<1x128xf32>
    %mul3A_7 = arith.constant 9.99999974E-5 : f32
    %mul3A_8 = vector.broadcast %mul3A_7 : f32 to vector<1x128xf32>
    %mul3A_9 = arith.mulf %get3A_6, %mul3A_8 : vector<1x128xf32>
    %mul3A_10 = arith.mulf %mul3A_3, %mul3A_3 : vector<1x128xf32>
    %sub3A = arith.subf %mul3A_9, %mul3A_10 : vector<1x128xf32>
    %get3A_11 = arith.constant 0 : index
    %get3A_12 = arith.constant 0 : index
    %get3A_13 = vector.load %arg4[%get3A_11, %get3A_12] : memref<1x128xf32, #tpu.memory_space<vmem>>, vector<1x128xf32>
    %add3A = arith.constant 9.99999974E-6 : f32
    %add3A_14 = vector.broadcast %add3A : f32 to vector<1x128xf32>
    %add3A_15 = arith.addf %sub3A, %add3A_14 : vector<1x128xf32>
    %rsqrt3A = math.rsqrt %add3A_15 : vector<1x128xf32>
    %mul3A_16 = arith.mulf %get3A_13, %rsqrt3A : vector<1x128xf32>
    %get3A_17 = arith.constant 0 : index
    %get3A_18 = arith.constant 0 : index
    %get3A_19 = vector.load %arg5[%get3A_17, %get3A_18] : memref<1x128xf32, #tpu.memory_space<vmem>>, vector<1x128xf32>
    %mul3A_20 = arith.mulf %mul3A_3, %mul3A_16 : vector<1x128xf32>
    %sub3A_21 = arith.subf %get3A_19, %mul3A_20 : vector<1x128xf32>
    %get3A_22 = arith.constant 0 : index
    %get3A_23 = arith.constant 0 : index
    %get3A_24 = vector.load %arg1[%get3A_22, %get3A_23] : memref<1000x128xf32, #tpu.memory_space<vmem>>, vector<1000x128xf32>
    %mul3A_25 = vector.broadcast %mul3A_16 : vector<1x128xf32> to vector<1000x128xf32>
    %mul3A_26 = arith.mulf %get3A_24, %mul3A_25 : vector<1000x128xf32>
    %add3A_27 = vector.broadcast %sub3A_21 : vector<1x128xf32> to vector<1000x128xf32>
    %add3A_28 = arith.addf %mul3A_26, %add3A_27 : vector<1000x128xf32>
    %max3A = arith.constant 0.000000e+00 : f32
    %max3A_29 = vector.broadcast %max3A : f32 to vector<1000x128xf32>
    %max3A_30 = arith.maximumf %add3A_28, %max3A_29 : vector<1000x128xf32>
    %swap3A = arith.constant 0 : index
    %swap3A_31 = arith.constant 0 : index
    %swap3A_32 = vector.load %arg10[%swap3A, %swap3A_31] : memref<1000x128xf32, #tpu.memory_space<vmem>>, vector<1000x128xf32>
    tpu.vector_store %arg10[%swap3A, %swap3A_31], %max3A_30 {strides = array<i32>} : memref<1000x128xf32, #tpu.memory_space<vmem>>, vector<1000x128xf32>,
    %get3A_33 = arith.constant 0 : index
    %get3A_34 = arith.constant 0 : index
    %get3A_35 = vector.load %arg6[%get3A_33, %get3A_34] : memref<128x128xf32, #tpu.memory_space<vmem>>, vector<128x128xf32>
    %dot_general3A = arith.constant dense<0.000000e+00> : vector<1000x128xf32>
    %dot_general3A_36 = tpu.matmul %max3A_30, %get3A_35, %dot_general3A {dimension_numbers = #tpu.dot_dimension_numbers<[1], [0], [0], [1], [0, 0, 1, 1], [], []>, transpose_lhs_hint = false} : vector<1000x128xf32>, vector<128x128xf32>, vector<1000x128xf32> -> vector<1000x128xf32>
    %get3A_37 = arith.constant 0 : index
    %get3A_38 = arith.constant 0 : index
    %get3A_39 = vector.load %arg7[%get3A_37, %get3A_38] : memref<1x128xf32, #tpu.memory_space<vmem>>, vector<1x128xf32>
    %add3A_40 = vector.broadcast %get3A_39 : vector<1x128xf32> to vector<1000x128xf32>
    %add3A_41 = arith.addf %dot_general3A_36, %add3A_40 : vector<1000x128xf32>
    %max3A_42 = arith.constant 0.000000e+00 : f32
    %max3A_43 = vector.broadcast %max3A_42 : f32 to vector<1000x128xf32>
    %max3A_44 = arith.maximumf %add3A_41, %max3A_43 : vector<1000x128xf32>
    %get3A_45 = arith.constant 0 : index
    %get3A_46 = arith.constant 0 : index
    %get3A_47 = vector.load %arg8[%get3A_45, %get3A_46] : memref<128x10xf32, #tpu.memory_space<vmem>>, vector<128x10xf32>
    %dot_general3A_48 = arith.constant dense<0.000000e+00> : vector<1000x10xf32>
    %dot_general3A_49 = tpu.matmul %max3A_44, %get3A_47, %dot_general3A_48 {dimension_numbers = #tpu.dot_dimension_numbers<[1], [0], [0], [1], [0, 0, 1, 1], [], []>, transpose_lhs_hint = false} : vector<1000x128xf32>, vector<128x10xf32>, vector<1000x10xf32> -> vector<1000x10xf32>
    %get3A_50 = arith.constant 0 : index
    %get3A_51 = arith.constant 0 : index
    %get3A_52 = vector.load %arg9[%get3A_50, %get3A_51] : memref<1x10xf32, #tpu.memory_space<vmem>>, vector<1x10xf32>
    %add3A_53 = vector.broadcast %get3A_52 : vector<1x10xf32> to vector<1000x10xf32>
    %add3A_54 = arith.addf %dot_general3A_49, %add3A_53 : vector<1000x10xf32>
    %swap3A_55 = arith.constant 0 : index
    %swap3A_56 = arith.constant 0 : index
    %swap3A_57 = vector.load %arg11[%swap3A_55, %swap3A_56] : memref<1000x10xf32, #tpu.memory_space<vmem>>, vector<1000x10xf32>
    tpu.vector_store %arg11[%swap3A_55, %swap3A_56], %add3A_54 {strides = array<i32>} : memref<1000x10xf32, #tpu.memory_space<vmem>>, vector<1000x10xf32>,
    return
  }
  func.func @transform_0(%arg0: i32) -> (i32, i32) {
    %c0_i32 = arith.constant 0 : i32
    %c0_i32_0 = arith.constant 0 : i32
    return %arg0, %c0_i32 : i32, i32
  }
  func.func @transform_1(%arg0: i32) -> (i32, i32) {
    %c0_i32 = arith.constant 0 : i32
    %c0_i32_0 = arith.constant 0 : i32
    %c0_i32_1 = arith.constant 0 : i32
    return %c0_i32, %c0_i32_0 : i32, i32
  }
  func.func @transform_2(%arg0: i32) -> (i32, i32) {
    %c0_i32 = arith.constant 0 : i32
    %c0_i32_0 = arith.constant 0 : i32
    %c0_i32_1 = arith.constant 0 : i32
    return %c0_i32, %c0_i32_0 : i32, i32
  }
  func.func @transform_3(%arg0: i32) -> (i32, i32) {
    %c0_i32 = arith.constant 0 : i32
    %c0_i32_0 = arith.constant 0 : i32
    %c0_i32_1 = arith.constant 0 : i32
    return %c0_i32, %c0_i32_0 : i32, i32
  }
  func.func @transform_4(%arg0: i32) -> (i32, i32) {
    %c0_i32 = arith.constant 0 : i32
    %c0_i32_0 = arith.constant 0 : i32
    %c0_i32_1 = arith.constant 0 : i32
    return %c0_i32, %c0_i32_0 : i32, i32
  }
  func.func @transform_5(%arg0: i32) -> (i32, i32) {
    %c0_i32 = arith.constant 0 : i32
    %c0_i32_0 = arith.constant 0 : i32
    %c0_i32_1 = arith.constant 0 : i32
    return %c0_i32, %c0_i32_0 : i32, i32
  }
  func.func @transform_6(%arg0: i32) -> (i32, i32) {
    %c0_i32 = arith.constant 0 : i32
    %c0_i32_0 = arith.constant 0 : i32
    %c0_i32_1 = arith.constant 0 : i32
    return %c0_i32, %c0_i32_0 : i32, i32
  }
  func.func @transform_7(%arg0: i32) -> (i32, i32) {
    %c0_i32 = arith.constant 0 : i32
    %c0_i32_0 = arith.constant 0 : i32
    %c0_i32_1 = arith.constant 0 : i32
    return %c0_i32, %c0_i32_0 : i32, i32
  }
  func.func @transform_8(%arg0: i32) -> (i32, i32) {
    %c0_i32 = arith.constant 0 : i32
    %c0_i32_0 = arith.constant 0 : i32
    %c0_i32_1 = arith.constant 0 : i32
    return %c0_i32, %c0_i32_0 : i32, i32
  }
  func.func @transform_9(%arg0: i32) -> (i32, i32) {
    %c0_i32 = arith.constant 0 : i32
    %c0_i32_0 = arith.constant 0 : i32
    return %arg0, %c0_i32 : i32, i32
  }
  func.func @transform_10(%arg0: i32) -> (i32, i32) {
    %c0_i32 = arith.constant 0 : i32
    %c0_i32_0 = arith.constant 0 : i32
    return %arg0, %c0_i32 : i32, i32
  }
}

</mosaic_0001>

<sc_bundles>
// kernel: kernel.11.cloned.1.call-start
scs
__scs_entry_jumppad:
0x0: {  	(pc) =	sbr.rel $0x88, $3  }
0x1: {  	(tag) =	ssettag $0x0;
	lr =	simm.s32 $0x1  }
0x2: {  	[smem:$0x3F8F] =	sst lr;
	_ =	strace $0xD0000000  }
0x3: {  	_ = 	snop  }
0x4: {  	_ = 	snop  }
0x5: {  	_ = 	snop  }
0x6: {  	_ = 	snop  }
0x7: {  	_ = 	snop  }
__scs_overlays_trampoline_lowered:
0x8: {  	[smem:$0x3F9E] =	sst s0  }
0x9: {  	[smem:$0x3F9F] =	sst s1  }
0xa: {  	[smem:$0x3FA0] =	sst s2  }
0xb: {  	[smem:$0x3FA1] =	sst s3  }
0xc: {  	[smem:$0x3FA2] =	sst s4  }
0xd: {  	[smem:$0x3FA3] =	sst s5  }
0xe: {  	[smem:$0x3FA4] =	sst s6  }
0xf: {  	[smem:$0x3FA5] =	sst s7  }
0x10: {  	[smem:$0x3FA6] =	sst s8  }
0x11: {  	[smem:$0x3FA7] =	sst s9;
	s0 =	simm.s32 @!p0 $0x0  }
0x12: {  	s1 =	sld [smem:$0x3F8D];
	s0 =	simm.s32 @p0 $0x1  }
0x13: {  	[smem:$0x3FA8] =	sst s0;
	s0 =	simm.s32 @!p1 $0x0  }
0x14: {  	s2 =	sld [smem:$0x3F8C];
	s0 =	simm.s32 @p1 $0x1  }
0x15: {  	[smem:$0x3FA9] =	sst s0;
	s0 =	simm.s32 @!p2 $0x0  }
0x16: {  	s3 =	sld [smem:$0x3FDB];
	s0 =	simm.s32 @p2 $0x1  }
0x17: {  	s4 =	simm.s32 $0x1BF5;
	[smem:$0x3FAB] =	sst s0  }
0x18: {  	s0 =	sld [smem:$0x3F8E];
	_ =	swait.ge [sflag:s4], $0x0  }
0x19: {  	s7 =	sld [smem:$0x3F8F]  }
0x1a: {  	s8 =	sadd.s32 $0xFFFFE003, lr  }
0x1b: {  	s9 =	sadd.s32 $0xFFFFFEF7, lr;
	s5 =	simm.s32 $0xFFFFFFFF;
	p2 =	slt.u32 s8, $0xFFFFF086  }
0x1c: {  	p1 =	slt.u32 s9, $0xF7A;
	s5 =	simm.s32 @!p2 $0x0  }
0x1d: {  	s5 =	simm.s32 @p1 $0x1;
	p0 =	seq.s32 s7, s2  }
0x1e: {  	s7 =	smul.u32 @!p0 $0xF7A, s2;
	p2 =	seq.s32 @!p0 s5, $0x0  }
0x1f: {  	s9 =	smul.u32 $0xF7A, s1;
	s8 =	simm.s32 @!p0 $0x1BF5;
	p2 =	por !p2, p0  }
0x20: {  	[sflag:s8] =	ssyncset.s32 @!p0 $0xFFFFF086;
	s6 =	sadd.s32 @!p0 s3, s7;
	s7 =	simm.s32 @!p0 $0x108  }
0x21: {  	s3 =	sadd.s32 s3, s9;
	s6 =	sadd.s32 @!p0 $0x88, s6;
	s7 =	simm.s32 @p2 $0x1082  }
0x22: {  	[simem:s7], [sflag:s8] =	dma.local @!p0 [hbm:s6], $0xF7A  }
0x23: {  	s9 =	sor.u32 $0xD0000000, s2;
	s6 =	simm.s32 $0x108;
	_ =	swait.ge @!p0 [sflag:s8], $0x0  }
0x24: {  	s3 =	sadd.s32 $0x88, s3;
	s6 =	simm.s32 @!p1 $0x1082;
	[sflag:s4] =	ssyncset.s32 $0xFFFFF086  }
0x25: {  	[simem:s6], [sflag:s4] =	dma.local [hbm:s3], $0xF7A  }
0x26: {  	[smem:$0x3F8F] =	sst s1;
	(tag) =	ssettag s2;
	_ =	strace s9  }
0x27: {  	s1 =	sld [smem:$0x3F9F]  }
0x28: {  	s2 =	sld [smem:$0x3FA0]  }
0x29: {  	s4 =	sld [smem:$0x3FA2]  }
0x2a: {  	p0 =	seq.s32 s5, $0x0;
	s5 =	sld [smem:$0x3FA3]  }
0x2b: {  	s6 =	sld [smem:$0x3FA4]  }
0x2c: {  	s7 =	sld [smem:$0x3FA5]  }
0x2d: {  	s3 =	simm.s32 $0x108;
	s8 =	sld [smem:$0x3FA6]  }
0x2e: {  	s3 =	simm.s32 @!p0 $0x1082;
	s9 =	sld [smem:$0x3FA7]  }
0x2f: {  	lr =	sadd.s32 s0, s3;
	s0 =	sld [smem:$0x3F9E]  }
0x30: {  	s3 =	sld [smem:$0x3FA1]  }
0x31: {  	[smem:$0x3FAA] =	sst s10  }
0x32: {  	s10 =	sld [smem:$0x3FA8];
	_ =	sdelay $0x3  }
0x33: {  	p0 =	seq.s32 s10, $0x1;
	s10 =	sld [smem:$0x3FAA];
	_ =	sdelay $0x3  }
0x34: {  	[smem:$0x3FAA] =	sst s10  }
0x35: {  	s10 =	sld [smem:$0x3FA9];
	_ =	sdelay $0x3  }
0x36: {  	p1 =	seq.s32 s10, $0x1;
	s10 =	sld [smem:$0x3FAA];
	_ =	sdelay $0x3  }
0x37: {  	[smem:$0x3FAA] =	sst s10  }
0x38: {  	s10 =	sld [smem:$0x3FAB]  }
0x39: {  	_ = 	snop;
	(pc) =	sbr.ind lr, $3  }
0x3a: {  	_ = 	snop  }
0x3b: {  	_ = 	snop  }
0x3c: {  	p2 =	seq.s32 s10, $0x1;
	s10 =	sld [smem:$0x3FAA]  }
0x3d: {  	_ =	shalt  }
0x3e: {  	_ =	shalt  }
0x3f: {  	_ =	shalt  }
0x40: {  	_ =	shalt  }
0x41: {  	_ =	shalt  }
0x42: {  	_ =	shalt  }
0x43: {  	_ =	shalt  }
0x44: {  	_ =	shalt  }
0x45: {  	_ =	shalt  }
0x46: {  	_ =	shalt  }
0x47: {  	_ =	shalt  }
0x48: {  	_ =	shalt  }
0x49: {  	_ =	shalt  }
0x4a: {  	_ =	shalt  }
0x4b: {  	_ =	shalt  }
0x4c: {  	_ =	shalt  }
0x4d: {  	_ =	shalt  }
0x4e: {  	_ =	shalt  }
0x4f: {  	_ =	shalt  }
0x50: {  	_ =	shalt  }
0x51: {  	_ =	shalt  }
0x52: {  	_ =	shalt  }
0x53: {  	_ =	shalt  }
0x54: {  	_ =	shalt  }
0x55: {  	_ =	shalt  }
0x56: {  	_ =	shalt  }
0x57: {  	_ =	shalt  }
0x58: {  	_ =	shalt  }
0x59: {  	_ =	shalt  }
0x5a: {  	_ =	shalt  }
0x5b: {  	_ =	shalt  }
0x5c: {  	_ =	shalt  }
0x5d: {  	_ =	shalt  }
0x5e: {  	_ =	shalt  }
0x5f: {  	_ =	shalt  }
0x60: {  	_ =	shalt  }
0x61: {  	_ =	shalt  }
0x62: {  	_ =	shalt  }
0x63: {  	_ =	shalt  }
0x64: {  	_ =	shalt  }
0x65: {  	_ =	shalt  }
0x66: {  	_ =	shalt  }
0x67: {  	_ =	shalt  }
0x68: {  	_ =	shalt  }
0x69: {  	_ =	shalt  }
0x6a: {  	_ =	shalt  }
0x6b: {  	_ =	shalt  }
0x6c: {  	_ =	shalt  }
0x6d: {  	_ =	shalt  }
0x6e: {  	_ =	shalt  }
0x6f: {  	_ =	shalt  }
0x70: {  	_ =	shalt  }
0x71: {  	_ =	shalt  }
0x72: {  	_ =	shalt  }
0x73: {  	_ =	shalt  }
0x74: {  	_ =	shalt  }
0x75: {  	_ =	shalt  }
0x76: {  	_ =	shalt  }
0x77: {  	_ =	shalt  }
0x78: {  	_ =	shalt  }
0x79: {  	_ =	shalt  }
0x7a: {  	_ =	shalt  }
0x7b: {  	_ =	shalt  }
0x7c: {  	_ =	shalt  }
0x7d: {  	_ =	shalt  }
0x7e: {  	_ =	shalt  }
0x7f: {  	_ =	shalt  }
0x80: {  	_ =	shalt  }
0x81: {  	_ =	shalt  }
0x82: {  	_ =	shalt  }
0x83: {  	_ =	shalt  }
0x84: {  	_ =	shalt  }
0x85: {  	_ =	shalt  }
0x86: {  	_ =	shalt  }
0x87: {  	_ =	shalt  }
.Lfunc_end0:
.L_simem_size_0:
called_computation.1_lowered:
.L_overlay_start_0:
0x88: {  	s2 =	sld [smem:$0x3FD9]  }
0x89: {  	s3 =	sld [smem:$0x3FFE];
	_ =	sdelay $0x1  }
0x8a: {  	s1 =	srdreg.scid  }
0x8b: {  	s0 =	sand.u32 $0x1, s1  }
0x8c: {  	s14 =	sshll.u32 s0, $0xA;
	s2 =	sadd.s32 s3, s2  }
0x8d: {  	s2 =	sadd.s32 s2, s14  }
0x8e: {  	[smem:$0x3FB6] =	sst s2  }
0x8f: {  	_ = 	snop  }
0x90: {  	s2 =	sld [smem:$0x3FD0];
	_ =	sdelay $0x2  }
0x91: {  	s15 =	simm.s32 $0xA;
	s4 =	simm.s32 $0x10  }
0x92: {  	[smem:s4], [sflag:s15] =	dma.local [hbm:s2], $0x1  }
0x93: {  	_ =	swait.eq [sflag:s15], $0x1  }
0x94: {  	[sflag:s15] =	ssyncset.done $0x0  }
0x95: {  	[sflag:s15] =	ssyncadd.s32 $0xFFFFFFFF  }
0x96: {  	s16 =	sld [smem:$0x10];
	(tm) =	ssettm $0x1  }
0x97: {  	s17 =	sld [smem:$0x3FFB];
	_ =	sdelay $0x3  }
0x98: {  	_ =	strace s17  }
0x99: {  	s3 =	sld [smem:$0x3FFC];
	_ =	sdelay $0x3  }
0x9a: {  	_ =	strace s3  }
0x9b: {  	s3 =	sld [smem:$0x3FFD];
	_ =	sdelay $0x3  }
0x9c: {  	_ =	strace s3  }
0x9d: {  	_ =	strace $0x8FFFFFFF  }
0x9e: {  	s18 =	sld [smem:$0x3FDB];
	_ =	sdelay $0x1  }
0x9f: {  	s19 =	simm.s32 $_scs_section_size  }
0xa0: {  	s5 =	simm.s32 $_size__tile_overlayer_lowered;
	s6 =	simm.s32 $_tile_overlayer_lowered  }
0xa1: {  	s22 =	simm.s32 $0x1BFF;
	s21 =	sshll.u32 s6, $0x1;
	s3 =	sadd.s32 s19, s18  }
0xa2: {  	s7 =	simm.s32 $0x0;
	s20 =	sshll.u32 s5, $0x1;
	s5 =	sadd.s32 s21, s3  }
0xa3: {  	[timem:s7], [sflag:s22] =	dma.local [hbm:s5], s20  }
0xa4: {  	_ =	swait.ge [sflag:s22], s20  }
0xa5: {  	s4 =	ssub.s32 $0x0, s20;
	[sflag:s22] =	ssyncset.done $0x0  }
0xa6: {  	[sflag:s22] =	ssyncadd.s32 s4;
	_ =	sdelay $0x1  }
0xa7: {  	s23 =	simm.s32 $0x1B8B  }
0xa8: {  	_ =	swait.ge [sflag:s23], $0x1  }
0xa9: {  	[sflag:s23] =	ssyncset.done $0x0  }
0xaa: {  	s25 =	simm.s32 $0x1B8E;
	s24 =	sld [smem:$0x3FFE];
	[sflag:s23] =	ssyncadd.s32 $0xFFFFFFFF  }
0xab: {  	s26 =	simm.s32 $execute0_lowered;
	[smem:$0x3FD2] =	sst s25  }
0xac: {  	s5 =	sshll.u32 s26, $0x1;
	_ =	strace $0x80000049;
	[dreg:$0x1] =	wrdreg $0xFFFFFFFF  }
0xad: {  	s28 =	simm.s32 $_size_execute0_lowered;
	s3 =	sadd.s32 s3, s5;
	[dreg:$0x0] =	wrdreg $0x0  }
0xae: {  	s5 =	sshll.u32 s28, $0x1;
	[dreg:$0x2] =	wrdreg s3  }
0xaf: {  	[dreg:$0x3] =	wrdreg s5  }
0xb0: {  	[dreg:$0x4] =	wrdreg $0xC0  }
0xb1: {  	_ =	task [dreg:s7], $0x5FFFF  }
0xb2: {  	[dreg:$0x1] =	wrdreg $0xFFFFFFFF  }
0xb3: {  	[dreg:$0x0] =	wrdreg $0x60  }
0xb4: {  	[dreg:$0x2] =	wrdreg s16  }
0xb5: {  	[dreg:$0x3] =	wrdreg s24  }
0xb6: {  	[dreg:$0x4] =	wrdreg $0x109A00  }
0xb7: {  	[dreg:$0x5] =	wrdreg $0x157D00  }
0xb8: {  	[dreg:$0x6] =	wrdreg $0x9  }
0xb9: {  	_ =	task.clear_ibuf [dreg:s7], $0x7FFFF;
	_ =	strace $0x90000049  }
0xba: {  	s29 =	simm.s32 $0x9;
	_ =	strace $0x8000004B  }
0xbb: {  	_ =	swait.ge [sflag:s29], $0x1  }
0xbc: {  	[sflag:s29] =	ssyncadd.s32 $0xFFFFFFFF  }
0xbd: {  	_ =	strace $0x9000004B  }
0xbe: {  	_ =	sfence  }
0xbf: {  	s30 =	sld [smem:$0x0];
	_ =	sdelay $0x2  }
0xc0: {  	s31 =	sshll.u32 s1, $0xD;
	s1 =	sshrl.u32 s1, $0x2  }
0xc1: {  	s3 =	sand.u32 $0x4000, s31;
	s1 =	sadd.s32 s1, s30  }
0xc2: {  	s0 =	sor.u32 s3, s0;
	s1 =	sshll.u32 s1, $0x11  }
0xc3: {  	s0 =	sor.u32 s1, s0  }
0xc4: {  	s0 =	sadd.s32 $0x8F2B, s0  }
0xc5: {  	[sflag:s0] =	ssyncadd.remote.s32 $0x1  }
0xc6: {  	_ =	sfence.sel $0xFFFF  }
0xc7: {  	[dreg:$0x0] =	wrdreg $0xFFFFFFFF;
	(pc) =	sbr.abs _section_cstart, $3  }
0xc8: {  	[dreg:$0x1] =	wrdreg $0xFFFFFFFF  }
0xc9: {  	_ =	task.clear_ibuf [dreg:s7], $0x2FFFF;
	_ =	strace $0x9FFFFFFF  }
0xca: {  	(tm) =	ssettm $0x7FFFFFFF  }
0xcb: {  	_ =	shalt  }
tec
execute0_lowered:
.L_overlay_start_1:
0x0: {  	(tag) =	ssettag $0x1  }
0x1: {  	s0 =	rddreg [dreg:$0x0]  }
0x2: {  	s1 =	rddreg [dreg:$0x1]  }
0x3: {  	s2 =	rddreg [dreg:$0x2]  }
0x4: {  	s3 =	rddreg [dreg:$0x3];
	s4 =	simm.s32 $0x0  }
0x5: {  	s12 =	stileid.u32;
	s6 =	srdreg.scid;
	s28 =	simm.s32 $0xBB8  }
0x6: {  	s29 =	simm.s32 $0x2;
	s30 =	simm.s32 $0x0;
	s5 =	smul.u32 $0x9C4, s12  }
0x7: {  	[smem:$0x7FF] =	sst s4;
	s6 =	sand.u32 $0x1, s6;
	s7 =	smul.u32 $0x14000, s12  }
0x8: {  	s11 =	smul.u32 $0x5000, s12;
	s22 =	sadd.s32 $0x4B000, s2;
	s23 =	sadd.s32 $0x4B000, s3  }
0x9: {  	p0 =	seq.s32 s12, $0xF;
	_ =	strace $0x8000004A;
	s8 =	ssub.s32 $0x2, s6  }
0xa: {  	s9 =	sshll.u32 s6, $0x6;
	s13 =	sshll.u32 s6, $0x3;
	[dreg:$0x7] =	wrdreg s22  }
0xb: {  	[dreg:$0x8] =	wrdreg s23;
	s22 =	simm.s32 $0x7D0;
	s23 =	simm.s32 $0x3E8  }
0xc: {  	s5 =	sadd.s32 s5, s1;
	s1 =	sadd.s32 $0x16800, s1;
	s10 =	sshrl.u32 s8, $0x1  }
0xd: {  	s9 =	sor.u32 s9, s7;
	s20 =	sadd.s32 s11, s2;
	s15 =	sadd.s32 s13, s0  }
0xe: {  	s21 =	sadd.s32 s11, s3;
	s7 =	sshrl.u32 s7, $0x2;
	[dreg:$0x5] =	wrdreg s20  }
0xf: {  	s8 =	ssub.s32 s8, s10;
	s19 =	sshrl.u32 s9, $0x3;
	[dreg:$0x6] =	wrdreg s21  }
0x10: {  	s9 =	sadd.s32 $0x25800, s15;
	s7 =	sadd.s32 s7, s3;
	s26 =	sadd.s32 s13, s1  }
0x11: {  	s15 =	sadd.s32 $0x25804, s15;
	s20 =	sadd.s32 $0x2C00, s5;
	s21 =	simm.s32 $0x3  }
0x12: {  	s6 =	sadd.s32 s0, s19;
	s24 =	sadd.s32 s1, s19;
	[dreg:$0xa] =	wrdreg s7  }
0x13: {  	s25 =	sor.u32 $0x4, s19;
	s31 =	sadd.s32 $0x25800, s26;
	s16 =	sadd.s32 $0x25804, s26  }
0x14: {  	s17 =	smax.u32 s8, $0x1;
	s19 =	sadd.s32 $0xCA00, s5;
	[dreg:$0x9] =	wrdreg s24  }
0x15: {  	s26 =	simm.s32 $0x8CA0;
	s13 =	sadd.s32 s0, s25;
	[dreg:$0xb] =	wrdreg s31  }
0x16: {  	s18 =	sadd.s32 s1, s25;
	s24 =	simm.s32 $0xFA0;
	s25 =	simm.s32 $0x1  }
.LBB2_1:
0x17: {  	s0 =	rddreg [dreg:$0x7]  }
0x18: {  	s1 =	simm.s32 @p0 $0x1;
	s7 =	simm.s32 @p0 $0x4;
	s8 =	simm.s32 @p0 $0x10  }
0x19: {  	s10 =	simm.s32 @p0 $0x1FC3;
	s31 =	simm.s32 @p0 $0x3;
	s5 =	sshrl.u32 @p0 s0, $0x3  }
0x1a: {  	[spmem:s5@s7], [sflag:s10] =	dma.strided @p0 [hbm:s9@s8], $0x640, s1, $0x4   }
0x1b: {  	_ =	swait.ge @p0 [sflag:s31], $0x640  }
0x1c: {  	[sflag:s31] =	ssyncset.done @p0 $0x0;
	s0 =	rddreg [dreg:$0x8]  }
0x1d: {  	[sflag:s31] =	ssyncadd.s32 @p0 $0xFFFFF9C0;
	s0 =	sshrl.u32 @p0 s0, $0x3  }
0x1e: {  	[spmem:s0@s7], [sflag:s10] =	dma.strided @p0 [hbm:s9@s8], $0x640, s1, $0x4   }
0x1f: {  	s11 =	simm.s32 @!p0 $0x10;
	s1 =	stileid.u32;
	_ =	swait.ge @p0 [sflag:s31], $0x640  }
0x20: {  	s12 =	simm.s32 @!p0 $0x3;
	s1 =	sshll.u32 @!p0 s1, $0x6;
	[sflag:s31] =	ssyncset.done @p0 $0x0  }
0x21: {  	[sflag:s31] =	ssyncadd.s32 @p0 $0xFFFFF9C0;
	s31 =	sor.u32 @!p0 $0x1C03, s1;
	s1 =	rddreg [dreg:$0x5]  }
0x22: {  	s8 =	simm.s32 @!p0 $0x1;
	s10 =	simm.s32 @!p0 $0x4;
	s1 =	sshrl.u32 @!p0 s1, $0x3  }
0x23: {  	[spmem:s1@s10], [sflag:s31] =	dma.strided @!p0 [hbm:s6@s11], $0xA00, s8, $0x4   }
0x24: {  	_ =	swait.ge @!p0 [sflag:s12], $0xA00  }
0x25: {  	[sflag:s12] =	ssyncset.done @!p0 $0x0;
	s7 =	rddreg [dreg:$0x6]  }
0x26: {  	[sflag:s12] =	ssyncadd.s32 @!p0 $0xFFFFF600;
	s7 =	sshrl.u32 @!p0 s7, $0x3  }
0x27: {  	[spmem:s7@s10], [sflag:s31] =	dma.strided @!p0 [hbm:s6@s11], $0xA00, s8, $0x4   }
0x28: {  	_ =	swait.ge @!p0 [sflag:s12], $0xA00  }
0x29: {  	[sflag:s12] =	ssyncset.done @!p0 $0x0  }
0x2a: {  	[sflag:s12] =	ssyncadd.s32 @!p0 $0xFFFFF600  }
0x2b: {  	s12 =	sadd.s32 $0x0, s19;
	[bflag:$0x0] =	sbarrier.arrive $0xFFFF  }
0x2c: {  	[tilespmem:s4], [sflag:$0x3] =	stream.linear.gather [hbm4b:s12+s4], $0x7D0, $0x38;
	[tilespmem:$0x1A600] =	vst v63  }
0x2d: {  	_ =	swait.ge [sflag:s21], $0x7D0  }
0x2e: {  	[sflag:s21] =	ssyncset.done $0x0  }
0x2f: {  	s14 =	sadd.s32 $0x0, s20;
	[sflag:s21] =	ssyncadd.s32 $0xFFFFF830  }
0x30: {  	[tilespmem:s22], [sflag:$0x3] =	stream.linear.gather [hbm4b:s14+s4], $0x7D0, $0x38;
	[tilespmem:$0x1A600] =	vst v63  }
0x31: {  	_ =	swait.ge [sflag:s21], $0x7D0  }
0x32: {  	[sflag:s21] =	ssyncset.done $0x0  }
0x33: {  	[sflag:s21] =	ssyncadd.s32 $0xFFFFF830  }
0x34: {  	[tilespmem:s24], [sflag:$0x1] =	stream.indirect.gather [spmem:s2], $0x20, s4, s23, $0xb8;
	[tilespmem:$0x1A600] =	vst v63  }
0x35: {  	_ =	swait.ge [sflag:s25], $0x7D00  }
0x36: {  	[sflag:s25] =	ssyncset.done $0x0  }
0x37: {  	[sflag:s25] =	ssyncadd.s32 $0xFFFF8300  }
0x38: {  	[spmem:s3] =	stream.indirect.scatter.add.f32 [tilespmem:s24], [sflag:$0x2], $0x20, s22, s23, $0xb8;
	[tilespmem:$0x1A600] =	vst v63  }
0x39: {  	_ = 	snop  }
0x3a: {  	[tilespmem:s26], [sflag:$0x1] =	stream.indirect.gather [spmem:s2], $0x20, s23, s23, $0xb8;
	[tilespmem:$0x1A600] =	vst v63  }
0x3b: {  	_ =	swait.ge [sflag:s25], $0x7D00  }
0x3c: {  	[sflag:s25] =	ssyncset.done $0x0  }
0x3d: {  	[sflag:s25] =	ssyncadd.s32 $0xFFFF8300  }
0x3e: {  	[spmem:s3] =	stream.indirect.scatter.add.f32 [tilespmem:s26], [sflag:$0x2], $0x20, s28, s23, $0xb8;
	[tilespmem:$0x1A600] =	vst v63  }
0x3f: {  	_ =	swait.ge [sflag:s29], $0x7D00  }
0x40: {  	[sflag:s29] =	ssyncset.done $0x0  }
0x41: {  	[sflag:s29] =	ssyncadd.s32 $0xFFFF8300  }
0x42: {  	_ =	swait.ge [sflag:s29], $0x7D00  }
0x43: {  	s8 =	simm.s32 $0xFA;
	s10 =	simm.s32 $0x1F4;
	[sflag:s29] =	ssyncset.done $0x0  }
.LBB2_2:
0x44: {  	s11 =	sadd.s32 s8, s19  }
0x45: {  	[sflag:s29] =	ssyncadd.s32 $0xFFFF8300;
	s12 =	smov.u32 s10;
	s14 =	sadd.s32 $0xFA, s10  }
0x46: {  	[tilespmem:s4], [sflag:$0x3] =	stream.linear.gather [hbm4b:s11+s4], $0x7D0, $0x38;
	[tilespmem:$0x1A600] =	vst v63  }
0x47: {  	p1 =	sne.s32 s10, $0x8CA;
	_ =	swait.ge [sflag:s21], $0x7D0  }
0x48: {  	[sflag:s21] =	ssyncset.done $0x0  }
0x49: {  	s10 =	sadd.s32 s8, s20;
	s8 =	smov.u32 s12;
	[sflag:s21] =	ssyncadd.s32 $0xFFFFF830  }
0x4a: {  	[tilespmem:s22], [sflag:$0x3] =	stream.linear.gather [hbm4b:s10+s4], $0x7D0, $0x38;
	[tilespmem:$0x1A600] =	vst v63  }
0x4b: {  	_ =	swait.ge [sflag:s21], $0x7D0  }
0x4c: {  	[sflag:s21] =	ssyncset.done $0x0  }
0x4d: {  	[sflag:s21] =	ssyncadd.s32 $0xFFFFF830  }
0x4e: {  	[tilespmem:s24], [sflag:$0x1] =	stream.indirect.gather [spmem:s2], $0x20, s4, s23, $0xb8;
	[tilespmem:$0x1A600] =	vst v63  }
0x4f: {  	_ =	swait.ge [sflag:s25], $0x7D00  }
0x50: {  	[sflag:s25] =	ssyncset.done $0x0  }
0x51: {  	[sflag:s25] =	ssyncadd.s32 $0xFFFF8300  }
0x52: {  	[spmem:s3] =	stream.indirect.scatter.add.f32 [tilespmem:s24], [sflag:$0x2], $0x20, s22, s23, $0xb8;
	[tilespmem:$0x1A600] =	vst v63  }
0x53: {  	_ = 	snop  }
0x54: {  	[tilespmem:s26], [sflag:$0x1] =	stream.indirect.gather [spmem:s2], $0x20, s23, s23, $0xb8;
	[tilespmem:$0x1A600] =	vst v63  }
0x55: {  	_ =	swait.ge [sflag:s25], $0x7D00  }
0x56: {  	[sflag:s25] =	ssyncset.done $0x0  }
0x57: {  	[sflag:s25] =	ssyncadd.s32 $0xFFFF8300  }
0x58: {  	[spmem:s3] =	stream.indirect.scatter.add.f32 [tilespmem:s26], [sflag:$0x2], $0x20, s28, s23, $0xb8;
	[tilespmem:$0x1A600] =	vst v63  }
.Ltmp0:
0x59: {  	_ =	swait.ge [sflag:s29], $0x7D00;
	(pc) =	sbr.rel @p1 .LBB2_2-.Ltmp0, $4  }
0x5a: {  	[sflag:s29] =	ssyncset.done $0x0  }
0x5b: {  	[sflag:s29] =	ssyncadd.s32 $0xFFFF8300  }
0x5c: {  	_ =	swait.ge [sflag:s29], $0x7D00  }
0x5d: {  	s10 =	smov.u32 s14;
	[sflag:s29] =	ssyncset.done $0x0  }
0x5e: {  	s10 =	sadd.s32 s8, s19;
	[sflag:s29] =	ssyncadd.s32 $0xFFFF8300  }
0x5f: {  	[tilespmem:s4], [sflag:$0x3] =	stream.linear.gather [hbm4b:s10+s4], $0x7D0, $0x38;
	[tilespmem:$0x1A600] =	vst v63  }
0x60: {  	_ =	swait.ge [sflag:s21], $0x7D0  }
0x61: {  	[sflag:s21] =	ssyncset.done $0x0  }
0x62: {  	s11 =	sadd.s32 s8, s20;
	[sflag:s21] =	ssyncadd.s32 $0xFFFFF830  }
0x63: {  	[tilespmem:s22], [sflag:$0x3] =	stream.linear.gather [hbm4b:s11+s4], $0x7D0, $0x38;
	[tilespmem:$0x1A600] =	vst v63  }
0x64: {  	_ =	swait.ge [sflag:s21], $0x7D0  }
0x65: {  	[sflag:s21] =	ssyncset.done $0x0  }
0x66: {  	[sflag:s21] =	ssyncadd.s32 $0xFFFFF830  }
0x67: {  	[tilespmem:s24], [sflag:$0x1] =	stream.indirect.gather [spmem:s2], $0x20, s4, s23, $0xb8;
	[tilespmem:$0x1A600] =	vst v63  }
0x68: {  	_ =	swait.ge [sflag:s25], $0x7D00  }
0x69: {  	[sflag:s25] =	ssyncset.done $0x0  }
0x6a: {  	[sflag:s25] =	ssyncadd.s32 $0xFFFF8300  }
0x6b: {  	[spmem:s3] =	stream.indirect.scatter.add.f32 [tilespmem:s24], [sflag:$0x2], $0x20, s22, s23, $0xb8;
	[tilespmem:$0x1A600] =	vst v63  }
0x6c: {  	_ = 	snop  }
0x6d: {  	[tilespmem:s26], [sflag:$0x1] =	stream.indirect.gather [spmem:s2], $0x20, s23, s23, $0xb8;
	[tilespmem:$0x1A600] =	vst v63  }
0x6e: {  	_ =	swait.ge [sflag:s25], $0x7D00  }
0x6f: {  	[sflag:s25] =	ssyncset.done $0x0  }
0x70: {  	[sflag:s25] =	ssyncadd.s32 $0xFFFF8300  }
0x71: {  	[spmem:s3] =	stream.indirect.scatter.add.f32 [tilespmem:s26], [sflag:$0x2], $0x20, s28, s23, $0xb8;
	[tilespmem:$0x1A600] =	vst v63  }
0x72: {  	_ =	swait.ge [sflag:s29], $0x7D00  }
0x73: {  	[sflag:s29] =	ssyncset.done $0x0  }
0x74: {  	[sflag:s29] =	ssyncadd.s32 $0xFFFF8300  }
0x75: {  	_ =	swait.ge [sflag:s29], $0x7D00  }
0x76: {  	[sflag:s29] =	ssyncset.done $0x0  }
0x77: {  	[sflag:s29] =	ssyncadd.s32 $0xFFFF8300  }
0x78: {  	s8 =	simm.s32 @p0 $0x1;
	s12 =	simm.s32 @p0 $0x1FC3;
	[bflag:$0x0] =	sbarrier.arrive $0xFFFF  }
0x79: {  	s10 =	simm.s32 @p0 $0x10;
	s11 =	simm.s32 @p0 $0x4;
	s14 =	rddreg [dreg:$0xb]  }
0x7a: {  	[hbm:s14@s10], [sflag:s12] =	dma.strided @p0 [spmem:s0@s11], $0x640, s8, $0x4   }
0x7b: {  	s14 =	simm.s32 @p0 $0x3  }
0x7c: {  	_ =	swait.ge @p0 [sflag:s14], $0x640  }
0x7d: {  	[sflag:s14] =	ssyncset.done @p0 $0x0  }
0x7e: {  	[sflag:s14] =	ssyncadd.s32 @p0 $0xFFFFF9C0  }
0x7f: {  	[bflag:$0x0] =	sbarrier.arrive @p0 $0xFFFF  }
0x80: {  	[spmem:s5@s11], [sflag:s12] =	dma.strided @p0 [hbm:s15@s10], $0x640, s8, $0x4   }
0x81: {  	_ =	swait.ge @p0 [sflag:s14], $0x640  }
0x82: {  	[sflag:s14] =	ssyncset.done @p0 $0x0  }
0x83: {  	[sflag:s14] =	ssyncadd.s32 @p0 $0xFFFFF9C0  }
0x84: {  	[spmem:s0@s11], [sflag:s12] =	dma.strided @p0 [hbm:s15@s10], $0x640, s8, $0x4   }
0x85: {  	s8 =	simm.s32 @!p0 $0x1;
	s10 =	simm.s32 @!p0 $0x10;
	_ =	swait.ge @p0 [sflag:s14], $0x640  }
0x86: {  	s11 =	simm.s32 @!p0 $0x4;
	[sflag:s14] =	ssyncset.done @p0 $0x0;
	s5 =	rddreg [dreg:$0xa]  }
0x87: {  	s12 =	rddreg [dreg:$0x9];
	[sflag:s14] =	ssyncadd.s32 @p0 $0xFFFFF9C0;
	s5 =	sshrl.u32 @!p0 s5, $0x3  }
0x88: {  	[hbm:s12@s10], [sflag:s31] =	dma.strided @!p0 [spmem:s5@s11], $0xA00, s8, $0x4   }
0x89: {  	s12 =	simm.s32 @!p0 $0x3  }
0x8a: {  	_ =	swait.ge @!p0 [sflag:s12], $0xA00  }
0x8b: {  	[sflag:s12] =	ssyncset.done @!p0 $0x0  }
0x8c: {  	[sflag:s12] =	ssyncadd.s32 @!p0 $0xFFFFF600  }
0x8d: {  	[bflag:$0x0] =	sbarrier.arrive @!p0 $0xFFFF  }
0x8e: {  	[spmem:s1@s11], [sflag:s31] =	dma.strided @!p0 [hbm:s13@s10], $0xA00, s8, $0x4   }
0x8f: {  	_ =	swait.ge @!p0 [sflag:s12], $0xA00  }
0x90: {  	[sflag:s12] =	ssyncset.done @!p0 $0x0  }
0x91: {  	[sflag:s12] =	ssyncadd.s32 @!p0 $0xFFFFF600  }
0x92: {  	[spmem:s7@s11], [sflag:s31] =	dma.strided @!p0 [hbm:s13@s10], $0xA00, s8, $0x4   }
0x93: {  	_ =	swait.ge @!p0 [sflag:s12], $0xA00  }
0x94: {  	[sflag:s12] =	ssyncset.done @!p0 $0x0  }
0x95: {  	[sflag:s12] =	ssyncadd.s32 @!p0 $0xFFFFF600  }
0x96: {  	s12 =	sadd.s32 $0x0, s19;
	[bflag:$0x0] =	sbarrier.arrive $0xFFFF  }
0x97: {  	[tilespmem:s4], [sflag:$0x3] =	stream.linear.gather [hbm4b:s12+s4], $0x7D0, $0x38;
	[tilespmem:$0x1A600] =	vst v63  }
0x98: {  	_ =	swait.ge [sflag:s21], $0x7D0  }
0x99: {  	[sflag:s21] =	ssyncset.done $0x0  }
0x9a: {  	s14 =	sadd.s32 $0x0, s20;
	[sflag:s21] =	ssyncadd.s32 $0xFFFFF830  }
0x9b: {  	[tilespmem:s22], [sflag:$0x3] =	stream.linear.gather [hbm4b:s14+s4], $0x7D0, $0x38;
	[tilespmem:$0x1A600] =	vst v63  }
0x9c: {  	_ =	swait.ge [sflag:s21], $0x7D0  }
0x9d: {  	[sflag:s21] =	ssyncset.done $0x0  }
0x9e: {  	[sflag:s21] =	ssyncadd.s32 $0xFFFFF830  }
0x9f: {  	[tilespmem:s24], [sflag:$0x1] =	stream.indirect.gather [spmem:s2], $0x20, s4, s23, $0xb8;
	[tilespmem:$0x1A600] =	vst v63  }
0xa0: {  	_ =	swait.ge [sflag:s25], $0x7D00  }
0xa1: {  	[sflag:s25] =	ssyncset.done $0x0  }
0xa2: {  	[sflag:s25] =	ssyncadd.s32 $0xFFFF8300  }
0xa3: {  	[spmem:s3] =	stream.indirect.scatter.add.f32 [tilespmem:s24], [sflag:$0x2], $0x20, s22, s23, $0xb8;
	[tilespmem:$0x1A600] =	vst v63  }
0xa4: {  	_ = 	snop  }
0xa5: {  	[tilespmem:s26], [sflag:$0x1] =	stream.indirect.gather [spmem:s2], $0x20, s23, s23, $0xb8;
	[tilespmem:$0x1A600] =	vst v63  }
0xa6: {  	_ =	swait.ge [sflag:s25], $0x7D00  }
0xa7: {  	[sflag:s25] =	ssyncset.done $0x0  }
0xa8: {  	[sflag:s25] =	ssyncadd.s32 $0xFFFF8300  }
0xa9: {  	[spmem:s3] =	stream.indirect.scatter.add.f32 [tilespmem:s26], [sflag:$0x2], $0x20, s28, s23, $0xb8;
	[tilespmem:$0x1A600] =	vst v63  }
0xaa: {  	_ =	swait.ge [sflag:s29], $0x7D00  }
0xab: {  	[sflag:s29] =	ssyncset.done $0x0  }
0xac: {  	[sflag:s29] =	ssyncadd.s32 $0xFFFF8300  }
0xad: {  	_ =	swait.ge [sflag:s29], $0x7D00  }
0xae: {  	s1 =	simm.s32 $0xFA;
	s7 =	simm.s32 $0x1F4;
	[sflag:s29] =	ssyncset.done $0x0  }
.LBB2_4:
0xaf: {  	s8 =	sadd.s32 s1, s19  }
0xb0: {  	[sflag:s29] =	ssyncadd.s32 $0xFFFF8300;
	s10 =	smov.u32 s7;
	s11 =	sadd.s32 $0xFA, s7  }
0xb1: {  	[tilespmem:s4], [sflag:$0x3] =	stream.linear.gather [hbm4b:s8+s4], $0x7D0, $0x38;
	[tilespmem:$0x1A600] =	vst v63  }
0xb2: {  	p1 =	sne.s32 s7, $0x8CA;
	_ =	swait.ge [sflag:s21], $0x7D0  }
0xb3: {  	[sflag:s21] =	ssyncset.done $0x0  }
0xb4: {  	s7 =	sadd.s32 s1, s20;
	s1 =	smov.u32 s10;
	[sflag:s21] =	ssyncadd.s32 $0xFFFFF830  }
0xb5: {  	[tilespmem:s22], [sflag:$0x3] =	stream.linear.gather [hbm4b:s7+s4], $0x7D0, $0x38;
	[tilespmem:$0x1A600] =	vst v63  }
0xb6: {  	_ =	swait.ge [sflag:s21], $0x7D0  }
0xb7: {  	[sflag:s21] =	ssyncset.done $0x0  }
0xb8: {  	[sflag:s21] =	ssyncadd.s32 $0xFFFFF830  }
0xb9: {  	[tilespmem:s24], [sflag:$0x1] =	stream.indirect.gather [spmem:s2], $0x20, s4, s23, $0xb8;
	[tilespmem:$0x1A600] =	vst v63  }
0xba: {  	_ =	swait.ge [sflag:s25], $0x7D00  }
0xbb: {  	[sflag:s25] =	ssyncset.done $0x0  }
0xbc: {  	[sflag:s25] =	ssyncadd.s32 $0xFFFF8300  }
0xbd: {  	[spmem:s3] =	stream.indirect.scatter.add.f32 [tilespmem:s24], [sflag:$0x2], $0x20, s22, s23, $0xb8;
	[tilespmem:$0x1A600] =	vst v63  }
0xbe: {  	_ = 	snop  }
0xbf: {  	[tilespmem:s26], [sflag:$0x1] =	stream.indirect.gather [spmem:s2], $0x20, s23, s23, $0xb8;
	[tilespmem:$0x1A600] =	vst v63  }
0xc0: {  	_ =	swait.ge [sflag:s25], $0x7D00  }
0xc1: {  	[sflag:s25] =	ssyncset.done $0x0  }
0xc2: {  	[sflag:s25] =	ssyncadd.s32 $0xFFFF8300  }
0xc3: {  	[spmem:s3] =	stream.indirect.scatter.add.f32 [tilespmem:s26], [sflag:$0x2], $0x20, s28, s23, $0xb8;
	[tilespmem:$0x1A600] =	vst v63  }
.Ltmp1:
0xc4: {  	_ =	swait.ge [sflag:s29], $0x7D00;
	(pc) =	sbr.rel @p1 .LBB2_4-.Ltmp1, $4  }
0xc5: {  	[sflag:s29] =	ssyncset.done $0x0  }
0xc6: {  	[sflag:s29] =	ssyncadd.s32 $0xFFFF8300  }
0xc7: {  	_ =	swait.ge [sflag:s29], $0x7D00  }
0xc8: {  	s7 =	smov.u32 s11;
	[sflag:s29] =	ssyncset.done $0x0  }
0xc9: {  	s7 =	sadd.s32 s1, s19;
	[sflag:s29] =	ssyncadd.s32 $0xFFFF8300  }
0xca: {  	[tilespmem:s4], [sflag:$0x3] =	stream.linear.gather [hbm4b:s7+s4], $0x7D0, $0x38;
	[tilespmem:$0x1A600] =	vst v63  }
0xcb: {  	_ =	swait.ge [sflag:s21], $0x7D0  }
0xcc: {  	[sflag:s21] =	ssyncset.done $0x0  }
0xcd: {  	s14 =	sadd.s32 s1, s20;
	[sflag:s21] =	ssyncadd.s32 $0xFFFFF830  }
0xce: {  	[tilespmem:s22], [sflag:$0x3] =	stream.linear.gather [hbm4b:s14+s4], $0x7D0, $0x38;
	[tilespmem:$0x1A600] =	vst v63  }
0xcf: {  	_ =	swait.ge [sflag:s21], $0x7D0  }
0xd0: {  	[sflag:s21] =	ssyncset.done $0x0  }
0xd1: {  	[sflag:s21] =	ssyncadd.s32 $0xFFFFF830  }
0xd2: {  	[tilespmem:s24], [sflag:$0x1] =	stream.indirect.gather [spmem:s2], $0x20, s4, s23, $0xb8;
	[tilespmem:$0x1A600] =	vst v63  }
0xd3: {  	_ =	swait.ge [sflag:s25], $0x7D00  }
0xd4: {  	[sflag:s25] =	ssyncset.done $0x0  }
0xd5: {  	[sflag:s25] =	ssyncadd.s32 $0xFFFF8300  }
0xd6: {  	[spmem:s3] =	stream.indirect.scatter.add.f32 [tilespmem:s24], [sflag:$0x2], $0x20, s22, s23, $0xb8;
	[tilespmem:$0x1A600] =	vst v63  }
0xd7: {  	_ = 	snop  }
0xd8: {  	[tilespmem:s26], [sflag:$0x1] =	stream.indirect.gather [spmem:s2], $0x20, s23, s23, $0xb8;
	[tilespmem:$0x1A600] =	vst v63  }
0xd9: {  	_ =	swait.ge [sflag:s25], $0x7D00  }
0xda: {  	[sflag:s25] =	ssyncset.done $0x0  }
0xdb: {  	[sflag:s25] =	ssyncadd.s32 $0xFFFF8300  }
0xdc: {  	[spmem:s3] =	stream.indirect.scatter.add.f32 [tilespmem:s26], [sflag:$0x2], $0x20, s28, s23, $0xb8;
	[tilespmem:$0x1A600] =	vst v63  }
0xdd: {  	_ =	swait.ge [sflag:s29], $0x7D00  }
0xde: {  	[sflag:s29] =	ssyncset.done $0x0  }
0xdf: {  	[sflag:s29] =	ssyncadd.s32 $0xFFFF8300  }
0xe0: {  	_ =	swait.ge [sflag:s29], $0x7D00  }
0xe1: {  	[sflag:s29] =	ssyncset.done $0x0  }
0xe2: {  	s1 =	simm.s32 @p0 $0x1;
	s8 =	simm.s32 @p0 $0x4;
	[sflag:s29] =	ssyncadd.s32 $0xFFFF8300  }
0xe3: {  	s10 =	simm.s32 @p0 $0x1FC3;
	s7 =	simm.s32 @p0 $0x10;
	[bflag:$0x0] =	sbarrier.arrive $0xFFFF  }
0xe4: {  	[hbm:s16@s7], [sflag:s10] =	dma.strided @p0 [spmem:s0@s8], $0x640, s1, $0x4   }
0xe5: {  	s0 =	simm.s32 @p0 $0x3  }
0xe6: {  	_ =	swait.ge @p0 [sflag:s0], $0x640  }
0xe7: {  	s30 =	sadd.s32 $0x1, s30;
	s1 =	simm.s32 @!p0 $0x10;
	[sflag:s0] =	ssyncset.done @p0 $0x0  }
0xe8: {  	s7 =	simm.s32 @!p0 $0x4;
	[sflag:s0] =	ssyncadd.s32 @p0 $0xFFFFF9C0;
	s0 =	simm.s32 @!p0 $0x1  }
0xe9: {  	[hbm:s18@s1], [sflag:s31] =	dma.strided @!p0 [spmem:s5@s7], $0xA00, s0, $0x4   }
0xea: {  	p1 =	sne.s32 s30, s17;
	s0 =	simm.s32 @!p0 $0x3  }
.Ltmp2:
0xeb: {  	_ =	swait.ge @!p0 [sflag:s0], $0xA00;
	(pc) =	sbr.rel @p1 .LBB2_1-.Ltmp2, $3  }
0xec: {  	[sflag:s0] =	ssyncset.done @!p0 $0x0  }
0xed: {  	[sflag:s0] =	ssyncadd.s32 @!p0 $0xFFFFF600  }
0xee: {  	[bflag:$0x0] =	sbarrier.arrive $0xFFFF;
	_ =	sdelay $0x1  }
0xef: {  	_ =	sfence.sel $0x180000  }
0xf0: {  	[bflag:$0x0] =	sbarrier.arrive $0xFFFF  }
0xf1: {  	_ =	strace $0x9000004A  }
0xf2: {  	s0 =	stileid.u32;
	[bflag:$0x2] =	sbarrier.arrive $0xFFFF  }
0xf3: {  	p0 =	sne.s32 s0, $0x0;
	s0 =	rddreg [dreg:$0x4]  }
0xf4: {  	s0 =	sadd.s32 @!p0 $0x100000, s0  }
0xf5: {  	[sflag:s0] =	ssyncadd.tile.s32 @!p0 $0x1;
	_ =	shalt  }
.Lfunc_end2:
_tile_overlayer_lowered:
.L_overlay_start_2:
0xf6: {  	(tag) =	ssettag $0x2  }
0xf7: {  	s0 =	rddreg [dreg:$0x0];
	s2 =	stileid.u32  }
0xf8: {  	s1 =	rddreg [dreg:$0x1];
	p0 =	sne.s32 s2, $0x0  }
0xf9: {  	s3 =	rddreg [dreg:$0x2];
	[bflag:$0x3] =	sbarrier.arrive $0xFFFF;
	s2 =	simm.s32 @!p0 $0x1C03  }
0xfa: {  	[timem:s3], [sflag:s2] =	dma.local @!p0 [hbm:s0], s1  }
0xfb: {  	s0 =	simm.s32 @!p0 $0x3  }
0xfc: {  	_ =	swait.ge @!p0 [sflag:s0], s1  }
0xfd: {  	s1 =	ssub.s32 @!p0 $0x0, s1;
	[sflag:s0] =	ssyncset.done @!p0 $0x0  }
0xfe: {  	[sflag:s0] =	ssyncadd.s32 @!p0 s1  }
0xff: {  	[bflag:$0x3] =	sbarrier.arrive $0xFFFF  }
0x100: {  	_ =	shalt  }

// kernel: kernel.8.cloned.1.call-start
scs
__scs_entry_jumppad:
0x0: {  	(pc) =	sbr.rel $0x88, $3  }
0x1: {  	(tag) =	ssettag $0x0;
	lr =	simm.s32 $0x1  }
0x2: {  	[smem:$0x3F8F] =	sst lr;
	_ =	strace $0xD0000000  }
0x3: {  	_ = 	snop  }
0x4: {  	_ = 	snop  }
0x5: {  	_ = 	snop  }
0x6: {  	_ = 	snop  }
0x7: {  	_ = 	snop  }
__scs_overlays_trampoline_lowered:
0x8: {  	[smem:$0x3F9E] =	sst s0  }
0x9: {  	[smem:$0x3F9F] =	sst s1  }
0xa: {  	[smem:$0x3FA0] =	sst s2  }
0xb: {  	[smem:$0x3FA1] =	sst s3  }
0xc: {  	[smem:$0x3FA2] =	sst s4  }
0xd: {  	[smem:$0x3FA3] =	sst s5  }
0xe: {  	[smem:$0x3FA4] =	sst s6  }
0xf: {  	[smem:$0x3FA5] =	sst s7  }
0x10: {  	[smem:$0x3FA6] =	sst s8  }
0x11: {  	[smem:$0x3FA7] =	sst s9;
	s0 =	simm.s32 @!p0 $0x0  }
0x12: {  	s1 =	sld [smem:$0x3F8D];
	s0 =	simm.s32 @p0 $0x1  }
0x13: {  	[smem:$0x3FA8] =	sst s0;
	s0 =	simm.s32 @!p1 $0x0  }
0x14: {  	s2 =	sld [smem:$0x3F8C];
	s0 =	simm.s32 @p1 $0x1  }
0x15: {  	[smem:$0x3FA9] =	sst s0;
	s0 =	simm.s32 @!p2 $0x0  }
0x16: {  	s3 =	sld [smem:$0x3FDB];
	s0 =	simm.s32 @p2 $0x1  }
0x17: {  	s4 =	simm.s32 $0x1BF5;
	[smem:$0x3FAB] =	sst s0  }
0x18: {  	s0 =	sld [smem:$0x3F8E];
	_ =	swait.ge [sflag:s4], $0x0  }
0x19: {  	s7 =	sld [smem:$0x3F8F]  }
0x1a: {  	s8 =	sadd.s32 $0xFFFFE003, lr  }
0x1b: {  	s9 =	sadd.s32 $0xFFFFFEF7, lr;
	s5 =	simm.s32 $0xFFFFFFFF;
	p2 =	slt.u32 s8, $0xFFFFF086  }
0x1c: {  	p1 =	slt.u32 s9, $0xF7A;
	s5 =	simm.s32 @!p2 $0x0  }
0x1d: {  	s5 =	simm.s32 @p1 $0x1;
	p0 =	seq.s32 s7, s2  }
0x1e: {  	s7 =	smul.u32 @!p0 $0xF7A, s2;
	p2 =	seq.s32 @!p0 s5, $0x0  }
0x1f: {  	s9 =	smul.u32 $0xF7A, s1;
	s8 =	simm.s32 @!p0 $0x1BF5;
	p2 =	por !p2, p0  }
0x20: {  	[sflag:s8] =	ssyncset.s32 @!p0 $0xFFFFF086;
	s6 =	sadd.s32 @!p0 s3, s7;
	s7 =	simm.s32 @!p0 $0x108  }
0x21: {  	s3 =	sadd.s32 s3, s9;
	s6 =	sadd.s32 @!p0 $0x88, s6;
	s7 =	simm.s32 @p2 $0x1082  }
0x22: {  	[simem:s7], [sflag:s8] =	dma.local @!p0 [hbm:s6], $0xF7A  }
0x23: {  	s9 =	sor.u32 $0xD0000000, s2;
	s6 =	simm.s32 $0x108;
	_ =	swait.ge @!p0 [sflag:s8], $0x0  }
0x24: {  	s3 =	sadd.s32 $0x88, s3;
	s6 =	simm.s32 @!p1 $0x1082;
	[sflag:s4] =	ssyncset.s32 $0xFFFFF086  }
0x25: {  	[simem:s6], [sflag:s4] =	dma.local [hbm:s3], $0xF7A  }
0x26: {  	[smem:$0x3F8F] =	sst s1;
	(tag) =	ssettag s2;
	_ =	strace s9  }
0x27: {  	s1 =	sld [smem:$0x3F9F]  }
0x28: {  	s2 =	sld [smem:$0x3FA0]  }
0x29: {  	s4 =	sld [smem:$0x3FA2]  }
0x2a: {  	p0 =	seq.s32 s5, $0x0;
	s5 =	sld [smem:$0x3FA3]  }
0x2b: {  	s6 =	sld [smem:$0x3FA4]  }
0x2c: {  	s7 =	sld [smem:$0x3FA5]  }
0x2d: {  	s3 =	simm.s32 $0x108;
	s8 =	sld [smem:$0x3FA6]  }
0x2e: {  	s3 =	simm.s32 @!p0 $0x1082;
	s9 =	sld [smem:$0x3FA7]  }
0x2f: {  	lr =	sadd.s32 s0, s3;
	s0 =	sld [smem:$0x3F9E]  }
0x30: {  	s3 =	sld [smem:$0x3FA1]  }
0x31: {  	[smem:$0x3FAA] =	sst s10  }
0x32: {  	s10 =	sld [smem:$0x3FA8];
	_ =	sdelay $0x3  }
0x33: {  	p0 =	seq.s32 s10, $0x1;
	s10 =	sld [smem:$0x3FAA];
	_ =	sdelay $0x3  }
0x34: {  	[smem:$0x3FAA] =	sst s10  }
0x35: {  	s10 =	sld [smem:$0x3FA9];
	_ =	sdelay $0x3  }
0x36: {  	p1 =	seq.s32 s10, $0x1;
	s10 =	sld [smem:$0x3FAA];
	_ =	sdelay $0x3  }
0x37: {  	[smem:$0x3FAA] =	sst s10  }
0x38: {  	s10 =	sld [smem:$0x3FAB]  }
0x39: {  	_ = 	snop;
	(pc) =	sbr.ind lr, $3  }
0x3a: {  	_ = 	snop  }
0x3b: {  	_ = 	snop  }
0x3c: {  	p2 =	seq.s32 s10, $0x1;
	s10 =	sld [smem:$0x3FAA]  }
0x3d: {  	_ =	shalt  }
0x3e: {  	_ =	shalt  }
0x3f: {  	_ =	shalt  }
0x40: {  	_ =	shalt  }
0x41: {  	_ =	shalt  }
0x42: {  	_ =	shalt  }
0x43: {  	_ =	shalt  }
0x44: {  	_ =	shalt  }
0x45: {  	_ =	shalt  }
0x46: {  	_ =	shalt  }
0x47: {  	_ =	shalt  }
0x48: {  	_ =	shalt  }
0x49: {  	_ =	shalt  }
0x4a: {  	_ =	shalt  }
0x4b: {  	_ =	shalt  }
0x4c: {  	_ =	shalt  }
0x4d: {  	_ =	shalt  }
0x4e: {  	_ =	shalt  }
0x4f: {  	_ =	shalt  }
0x50: {  	_ =	shalt  }
0x51: {  	_ =	shalt  }
0x52: {  	_ =	shalt  }
0x53: {  	_ =	shalt  }
0x54: {  	_ =	shalt  }
0x55: {  	_ =	shalt  }
0x56: {  	_ =	shalt  }
0x57: {  	_ =	shalt  }
0x58: {  	_ =	shalt  }
0x59: {  	_ =	shalt  }
0x5a: {  	_ =	shalt  }
0x5b: {  	_ =	shalt  }
0x5c: {  	_ =	shalt  }
0x5d: {  	_ =	shalt  }
0x5e: {  	_ =	shalt  }
0x5f: {  	_ =	shalt  }
0x60: {  	_ =	shalt  }
0x61: {  	_ =	shalt  }
0x62: {  	_ =	shalt  }
0x63: {  	_ =	shalt  }
0x64: {  	_ =	shalt  }
0x65: {  	_ =	shalt  }
0x66: {  	_ =	shalt  }
0x67: {  	_ =	shalt  }
0x68: {  	_ =	shalt  }
0x69: {  	_ =	shalt  }
0x6a: {  	_ =	shalt  }
0x6b: {  	_ =	shalt  }
0x6c: {  	_ =	shalt  }
0x6d: {  	_ =	shalt  }
0x6e: {  	_ =	shalt  }
0x6f: {  	_ =	shalt  }
0x70: {  	_ =	shalt  }
0x71: {  	_ =	shalt  }
0x72: {  	_ =	shalt  }
0x73: {  	_ =	shalt  }
0x74: {  	_ =	shalt  }
0x75: {  	_ =	shalt  }
0x76: {  	_ =	shalt  }
0x77: {  	_ =	shalt  }
0x78: {  	_ =	shalt  }
0x79: {  	_ =	shalt  }
0x7a: {  	_ =	shalt  }
0x7b: {  	_ =	shalt  }
0x7c: {  	_ =	shalt  }
0x7d: {  	_ =	shalt  }
0x7e: {  	_ =	shalt  }
0x7f: {  	_ =	shalt  }
0x80: {  	_ =	shalt  }
0x81: {  	_ =	shalt  }
0x82: {  	_ =	shalt  }
0x83: {  	_ =	shalt  }
0x84: {  	_ =	shalt  }
0x85: {  	_ =	shalt  }
0x86: {  	_ =	shalt  }
0x87: {  	_ =	shalt  }
.Lfunc_end0:
.L_simem_size_0:
called_computation_lowered:
.L_overlay_start_0:
0x88: {  	s2 =	sld [smem:$0x3FD9]  }
0x89: {  	s3 =	sld [smem:$0x3FFE];
	_ =	sdelay $0x1  }
0x8a: {  	s1 =	srdreg.scid  }
0x8b: {  	s0 =	sand.u32 $0x1, s1  }
0x8c: {  	s14 =	sshll.u32 s0, $0xA;
	s2 =	sadd.s32 s3, s2  }
0x8d: {  	s2 =	sadd.s32 s2, s14  }
0x8e: {  	[smem:$0x3FB6] =	sst s2  }
0x8f: {  	_ = 	snop  }
0x90: {  	s2 =	sld [smem:$0x3FD0];
	_ =	sdelay $0x2  }
0x91: {  	s4 =	simm.s32 $0xA;
	s5 =	simm.s32 $0x10;
	s15 =	sld [smem:$0x3FC9]  }
0x92: {  	[smem:s5], [sflag:s4] =	dma.local [hbm:s2], $0x1  }
0x93: {  	_ =	swait.eq [sflag:s4], $0x1  }
0x94: {  	[sflag:s4] =	ssyncset.done $0x0  }
0x95: {  	[sflag:s4] =	ssyncadd.s32 $0xFFFFFFFF  }
0x96: {  	s16 =	sld [smem:$0x10];
	(tm) =	ssettm $0x1  }
0x97: {  	s17 =	sld [smem:$0x3FFB];
	_ =	sdelay $0x3  }
0x98: {  	_ =	strace s17  }
0x99: {  	s4 =	sld [smem:$0x3FFC];
	_ =	sdelay $0x3  }
0x9a: {  	_ =	strace s4  }
0x9b: {  	s4 =	sld [smem:$0x3FFD];
	_ =	sdelay $0x3  }
0x9c: {  	_ =	strace s4  }
0x9d: {  	_ =	strace $0x8FFFFFFF  }
0x9e: {  	s18 =	sld [smem:$0x3FDB];
	_ =	sdelay $0x1  }
0x9f: {  	s19 =	simm.s32 $_scs_section_size  }
0xa0: {  	s6 =	simm.s32 $_size__tile_overlayer_lowered;
	s7 =	simm.s32 $_tile_overlayer_lowered  }
0xa1: {  	s22 =	simm.s32 $0x1BFF;
	s21 =	sshll.u32 s7, $0x1;
	s4 =	sadd.s32 s19, s18  }
0xa2: {  	s8 =	simm.s32 $0x0;
	s20 =	sshll.u32 s6, $0x1;
	s6 =	sadd.s32 s21, s4  }
0xa3: {  	[timem:s8], [sflag:s22] =	dma.local [hbm:s6], s20  }
0xa4: {  	_ =	swait.ge [sflag:s22], s20  }
0xa5: {  	s5 =	ssub.s32 $0x0, s20;
	[sflag:s22] =	ssyncset.done $0x0  }
0xa6: {  	[sflag:s22] =	ssyncadd.s32 s5;
	_ =	sdelay $0x1  }
0xa7: {  	s23 =	simm.s32 $0x1B8B  }
0xa8: {  	_ =	swait.ge [sflag:s23], $0x1  }
0xa9: {  	[sflag:s23] =	ssyncset.done $0x0  }
0xaa: {  	s25 =	simm.s32 $0x1B8E;
	s24 =	sld [smem:$0x3FFE];
	[sflag:s23] =	ssyncadd.s32 $0xFFFFFFFF  }
0xab: {  	s26 =	simm.s32 $execute0_lowered;
	[smem:$0x3FD2] =	sst s25  }
0xac: {  	s6 =	sshll.u32 s26, $0x1;
	_ =	strace $0x80000046;
	[dreg:$0x1] =	wrdreg $0xFFFFFFFF  }
0xad: {  	s28 =	simm.s32 $_size_execute0_lowered;
	s4 =	sadd.s32 s4, s6;
	[dreg:$0x0] =	wrdreg $0x0  }
0xae: {  	s6 =	sshll.u32 s28, $0x1;
	[dreg:$0x2] =	wrdreg s4  }
0xaf: {  	[dreg:$0x3] =	wrdreg s6  }
0xb0: {  	[dreg:$0x4] =	wrdreg $0xC0  }
0xb1: {  	_ =	task [dreg:s8], $0x5FFFF  }
0xb2: {  	[dreg:$0x1] =	wrdreg $0xFFFFFFFF  }
0xb3: {  	[dreg:$0x0] =	wrdreg $0x60  }
0xb4: {  	[dreg:$0x2] =	wrdreg s15  }
0xb5: {  	[dreg:$0x3] =	wrdreg s24  }
0xb6: {  	[dreg:$0x4] =	wrdreg s16  }
0xb7: {  	[dreg:$0x5] =	wrdreg $0x109A00  }
0xb8: {  	[dreg:$0x6] =	wrdreg $0x157D00  }
0xb9: {  	[dreg:$0x7] =	wrdreg $0x9  }
0xba: {  	_ =	task.clear_ibuf [dreg:s8], $0x8FFFF;
	_ =	strace $0x90000046  }
0xbb: {  	s29 =	simm.s32 $0x9;
	_ =	strace $0x80000048  }
0xbc: {  	_ =	swait.ge [sflag:s29], $0x1  }
0xbd: {  	[sflag:s29] =	ssyncadd.s32 $0xFFFFFFFF  }
0xbe: {  	_ =	strace $0x90000048  }
0xbf: {  	_ =	sfence  }
0xc0: {  	s30 =	sld [smem:$0x0];
	_ =	sdelay $0x2  }
0xc1: {  	s31 =	sshll.u32 s1, $0xD;
	s1 =	sshrl.u32 s1, $0x2  }
0xc2: {  	s3 =	sand.u32 $0x4000, s31;
	s1 =	sadd.s32 s1, s30  }
0xc3: {  	s0 =	sor.u32 s3, s0;
	s1 =	sshll.u32 s1, $0x11  }
0xc4: {  	s0 =	sor.u32 s1, s0  }
0xc5: {  	s0 =	sadd.s32 $0x8F2B, s0  }
0xc6: {  	[sflag:s0] =	ssyncadd.remote.s32 $0x1  }
0xc7: {  	_ =	sfence.sel $0xFFFF  }
0xc8: {  	[dreg:$0x0] =	wrdreg $0xFFFFFFFF;
	(pc) =	sbr.abs _section_cstart, $3  }
0xc9: {  	[dreg:$0x1] =	wrdreg $0xFFFFFFFF  }
0xca: {  	_ =	task.clear_ibuf [dreg:s8], $0x2FFFF;
	_ =	strace $0x9FFFFFFF  }
0xcb: {  	(tm) =	ssettm $0x7FFFFFFF  }
tec
execute0_lowered:
.L_overlay_start_1:
0x0: {  	(tag) =	ssettag $0x1  }
0x1: {  	s0 =	rddreg [dreg:$0x0]  }
0x2: {  	s2 =	rddreg [dreg:$0x1]  }
0x3: {  	s5 =	rddreg [dreg:$0x2]  }
0x4: {  	s1 =	rddreg [dreg:$0x3]  }
0x5: {  	s3 =	rddreg [dreg:$0x4]  }
0x6: {  	s4 =	simm.s32 $0x0;
	s12 =	stileid.u32;
	s7 =	srdreg.scid  }
0x7: {  	s28 =	simm.s32 $0xBB8;
	s29 =	simm.s32 $0x2;
	s6 =	smul.u32 $0x9C4, s12  }
0x8: {  	s30 =	simm.s32 $0x0;
	[smem:$0x7FF] =	sst s4;
	s8 =	smul.u32 $0x14000, s12  }
0x9: {  	s7 =	sand.u32 $0x1, s7;
	s11 =	smul.u32 $0x5000, s12;
	s23 =	sadd.s32 $0x4B000, s1  }
0xa: {  	s24 =	sadd.s32 $0x4B000, s3;
	p0 =	seq.s32 s12, $0xF;
	_ =	strace $0x80000047  }
0xb: {  	s20 =	ssub.s32 $0x2, s7;
	s9 =	sshll.u32 s7, $0x6;
	[dreg:$0x8] =	wrdreg s23  }
0xc: {  	s7 =	sshll.u32 s7, $0x3;
	[dreg:$0x9] =	wrdreg s24;
	s23 =	simm.s32 $0x3E8  }
0xd: {  	s24 =	simm.s32 $0xFA0;
	s2 =	sadd.s32 s6, s2;
	s10 =	sshrl.u32 s20, $0x1  }
0xe: {  	s9 =	sor.u32 s9, s8;
	s21 =	sadd.s32 s11, s1;
	s15 =	sadd.s32 s7, s0  }
0xf: {  	s22 =	sadd.s32 s11, s3;
	s8 =	sshrl.u32 s8, $0x2;
	s7 =	sadd.s32 s7, s5  }
0x10: {  	s10 =	ssub.s32 s20, s10;
	s13 =	sshrl.u32 s9, $0x3;
	[dreg:$0x6] =	wrdreg s21  }
0x11: {  	[dreg:$0x7] =	wrdreg s22;
	s9 =	sadd.s32 $0x25800, s15;
	s8 =	sadd.s32 s8, s3  }
0x12: {  	s31 =	sadd.s32 $0x25800, s7;
	s15 =	sadd.s32 $0x25804, s15;
	s16 =	sadd.s32 $0x25804, s7  }
0x13: {  	s19 =	sadd.s32 $0xCA00, s2;
	s20 =	sadd.s32 $0x2C00, s2;
	s21 =	simm.s32 $0x3  }
0x14: {  	s22 =	simm.s32 $0x7D0;
	s6 =	sadd.s32 s0, s13;
	[dreg:$0xb] =	wrdreg s8  }
0x15: {  	s25 =	sadd.s32 s5, s13;
	s26 =	sor.u32 $0x4, s13;
	[dreg:$0xc] =	wrdreg s31  }
0x16: {  	s17 =	smax.u32 s10, $0x1;
	[dreg:$0xa] =	wrdreg s25;
	s13 =	sadd.s32 s0, s26  }
0x17: {  	s18 =	sadd.s32 s5, s26;
	s25 =	simm.s32 $0x1;
	s26 =	simm.s32 $0x8CA0  }
.LBB2_1:
0x18: {  	s0 =	rddreg [dreg:$0x8]  }
0x19: {  	s2 =	simm.s32 @p0 $0x1;
	s7 =	simm.s32 @p0 $0x4;
	s8 =	simm.s32 @p0 $0x10  }
0x1a: {  	s10 =	simm.s32 @p0 $0x1FC3;
	s31 =	simm.s32 @p0 $0x3;
	s5 =	sshrl.u32 @p0 s0, $0x3  }
0x1b: {  	[spmem:s5@s7], [sflag:s10] =	dma.strided @p0 [hbm:s9@s8], $0x640, s2, $0x4   }
0x1c: {  	_ =	swait.ge @p0 [sflag:s31], $0x640  }
0x1d: {  	[sflag:s31] =	ssyncset.done @p0 $0x0;
	s0 =	rddreg [dreg:$0x9]  }
0x1e: {  	[sflag:s31] =	ssyncadd.s32 @p0 $0xFFFFF9C0;
	s0 =	sshrl.u32 @p0 s0, $0x3  }
0x1f: {  	[spmem:s0@s7], [sflag:s10] =	dma.strided @p0 [hbm:s9@s8], $0x640, s2, $0x4   }
0x20: {  	s11 =	simm.s32 @!p0 $0x10;
	s2 =	stileid.u32;
	_ =	swait.ge @p0 [sflag:s31], $0x640  }
0x21: {  	s12 =	simm.s32 @!p0 $0x3;
	s2 =	sshll.u32 @!p0 s2, $0x6;
	[sflag:s31] =	ssyncset.done @p0 $0x0  }
0x22: {  	[sflag:s31] =	ssyncadd.s32 @p0 $0xFFFFF9C0;
	s31 =	sor.u32 @!p0 $0x1C03, s2;
	s2 =	rddreg [dreg:$0x6]  }
0x23: {  	s8 =	simm.s32 @!p0 $0x1;
	s10 =	simm.s32 @!p0 $0x4;
	s2 =	sshrl.u32 @!p0 s2, $0x3  }
0x24: {  	[spmem:s2@s10], [sflag:s31] =	dma.strided @!p0 [hbm:s6@s11], $0xA00, s8, $0x4   }
0x25: {  	_ =	swait.ge @!p0 [sflag:s12], $0xA00  }
0x26: {  	[sflag:s12] =	ssyncset.done @!p0 $0x0;
	s7 =	rddreg [dreg:$0x7]  }
0x27: {  	[sflag:s12] =	ssyncadd.s32 @!p0 $0xFFFFF600;
	s7 =	sshrl.u32 @!p0 s7, $0x3  }
0x28: {  	[spmem:s7@s10], [sflag:s31] =	dma.strided @!p0 [hbm:s6@s11], $0xA00, s8, $0x4   }
0x29: {  	_ =	swait.ge @!p0 [sflag:s12], $0xA00  }
0x2a: {  	[sflag:s12] =	ssyncset.done @!p0 $0x0  }
0x2b: {  	[sflag:s12] =	ssyncadd.s32 @!p0 $0xFFFFF600  }
0x2c: {  	s12 =	sadd.s32 $0x0, s19;
	[bflag:$0x0] =	sbarrier.arrive $0xFFFF  }
0x2d: {  	[tilespmem:s4], [sflag:$0x3] =	stream.linear.gather [hbm4b:s12+s4], $0x7D0, $0x38;
	[tilespmem:$0x1A600] =	vst v63  }
0x2e: {  	_ =	swait.ge [sflag:s21], $0x7D0  }
0x2f: {  	[sflag:s21] =	ssyncset.done $0x0  }
0x30: {  	s14 =	sadd.s32 $0x0, s20;
	[sflag:s21] =	ssyncadd.s32 $0xFFFFF830  }
0x31: {  	[tilespmem:s22], [sflag:$0x3] =	stream.linear.gather [hbm4b:s14+s4], $0x7D0, $0x38;
	[tilespmem:$0x1A600] =	vst v63  }
0x32: {  	_ =	swait.ge [sflag:s21], $0x7D0  }
0x33: {  	[sflag:s21] =	ssyncset.done $0x0  }
0x34: {  	[sflag:s21] =	ssyncadd.s32 $0xFFFFF830  }
0x35: {  	[tilespmem:s24], [sflag:$0x1] =	stream.indirect.gather [spmem:s1], $0x20, s4, s23, $0xb8;
	[tilespmem:$0x1A600] =	vst v63  }
0x36: {  	_ =	swait.ge [sflag:s25], $0x7D00  }
0x37: {  	[sflag:s25] =	ssyncset.done $0x0  }
0x38: {  	[sflag:s25] =	ssyncadd.s32 $0xFFFF8300  }
0x39: {  	[spmem:s3] =	stream.indirect.scatter.add.f32 [tilespmem:s24], [sflag:$0x2], $0x20, s22, s23, $0xb8;
	[tilespmem:$0x1A600] =	vst v63  }
0x3a: {  	_ = 	snop  }
0x3b: {  	[tilespmem:s26], [sflag:$0x1] =	stream.indirect.gather [spmem:s1], $0x20, s23, s23, $0xb8;
	[tilespmem:$0x1A600] =	vst v63  }
0x3c: {  	_ =	swait.ge [sflag:s25], $0x7D00  }
0x3d: {  	[sflag:s25] =	ssyncset.done $0x0  }
0x3e: {  	[sflag:s25] =	ssyncadd.s32 $0xFFFF8300  }
0x3f: {  	[spmem:s3] =	stream.indirect.scatter.add.f32 [tilespmem:s26], [sflag:$0x2], $0x20, s28, s23, $0xb8;
	[tilespmem:$0x1A600] =	vst v63  }
0x40: {  	_ =	swait.ge [sflag:s29], $0x7D00  }
0x41: {  	[sflag:s29] =	ssyncset.done $0x0  }
0x42: {  	[sflag:s29] =	ssyncadd.s32 $0xFFFF8300  }
0x43: {  	_ =	swait.ge [sflag:s29], $0x7D00  }
0x44: {  	s8 =	simm.s32 $0xFA;
	s10 =	simm.s32 $0x1F4;
	[sflag:s29] =	ssyncset.done $0x0  }
.LBB2_2:
0x45: {  	s11 =	sadd.s32 s8, s19  }
0x46: {  	[sflag:s29] =	ssyncadd.s32 $0xFFFF8300;
	s12 =	smov.u32 s10;
	s14 =	sadd.s32 $0xFA, s10  }
0x47: {  	[tilespmem:s4], [sflag:$0x3] =	stream.linear.gather [hbm4b:s11+s4], $0x7D0, $0x38;
	[tilespmem:$0x1A600] =	vst v63  }
0x48: {  	p1 =	sne.s32 s10, $0x8CA;
	_ =	swait.ge [sflag:s21], $0x7D0  }
0x49: {  	[sflag:s21] =	ssyncset.done $0x0  }
0x4a: {  	s10 =	sadd.s32 s8, s20;
	s8 =	smov.u32 s12;
	[sflag:s21] =	ssyncadd.s32 $0xFFFFF830  }
0x4b: {  	[tilespmem:s22], [sflag:$0x3] =	stream.linear.gather [hbm4b:s10+s4], $0x7D0, $0x38;
	[tilespmem:$0x1A600] =	vst v63  }
0x4c: {  	_ =	swait.ge [sflag:s21], $0x7D0  }
0x4d: {  	[sflag:s21] =	ssyncset.done $0x0  }
0x4e: {  	[sflag:s21] =	ssyncadd.s32 $0xFFFFF830  }
0x4f: {  	[tilespmem:s24], [sflag:$0x1] =	stream.indirect.gather [spmem:s1], $0x20, s4, s23, $0xb8;
	[tilespmem:$0x1A600] =	vst v63  }
0x50: {  	_ =	swait.ge [sflag:s25], $0x7D00  }
0x51: {  	[sflag:s25] =	ssyncset.done $0x0  }
0x52: {  	[sflag:s25] =	ssyncadd.s32 $0xFFFF8300  }
0x53: {  	[spmem:s3] =	stream.indirect.scatter.add.f32 [tilespmem:s24], [sflag:$0x2], $0x20, s22, s23, $0xb8;
	[tilespmem:$0x1A600] =	vst v63  }
0x54: {  	_ = 	snop  }
0x55: {  	[tilespmem:s26], [sflag:$0x1] =	stream.indirect.gather [spmem:s1], $0x20, s23, s23, $0xb8;
	[tilespmem:$0x1A600] =	vst v63  }
0x56: {  	_ =	swait.ge [sflag:s25], $0x7D00  }
0x57: {  	[sflag:s25] =	ssyncset.done $0x0  }
0x58: {  	[sflag:s25] =	ssyncadd.s32 $0xFFFF8300  }
0x59: {  	[spmem:s3] =	stream.indirect.scatter.add.f32 [tilespmem:s26], [sflag:$0x2], $0x20, s28, s23, $0xb8;
	[tilespmem:$0x1A600] =	vst v63  }
.Ltmp0:
0x5a: {  	_ =	swait.ge [sflag:s29], $0x7D00;
	(pc) =	sbr.rel @p1 .LBB2_2-.Ltmp0, $4  }
0x5b: {  	[sflag:s29] =	ssyncset.done $0x0  }
0x5c: {  	[sflag:s29] =	ssyncadd.s32 $0xFFFF8300  }
0x5d: {  	_ =	swait.ge [sflag:s29], $0x7D00  }
0x5e: {  	s10 =	smov.u32 s14;
	[sflag:s29] =	ssyncset.done $0x0  }
0x5f: {  	s10 =	sadd.s32 s8, s19;
	[sflag:s29] =	ssyncadd.s32 $0xFFFF8300  }
0x60: {  	[tilespmem:s4], [sflag:$0x3] =	stream.linear.gather [hbm4b:s10+s4], $0x7D0, $0x38;
	[tilespmem:$0x1A600] =	vst v63  }
0x61: {  	_ =	swait.ge [sflag:s21], $0x7D0  }
0x62: {  	[sflag:s21] =	ssyncset.done $0x0  }
0x63: {  	s11 =	sadd.s32 s8, s20;
	[sflag:s21] =	ssyncadd.s32 $0xFFFFF830  }
0x64: {  	[tilespmem:s22], [sflag:$0x3] =	stream.linear.gather [hbm4b:s11+s4], $0x7D0, $0x38;
	[tilespmem:$0x1A600] =	vst v63  }
0x65: {  	_ =	swait.ge [sflag:s21], $0x7D0  }
0x66: {  	[sflag:s21] =	ssyncset.done $0x0  }
0x67: {  	[sflag:s21] =	ssyncadd.s32 $0xFFFFF830  }
0x68: {  	[tilespmem:s24], [sflag:$0x1] =	stream.indirect.gather [spmem:s1], $0x20, s4, s23, $0xb8;
	[tilespmem:$0x1A600] =	vst v63  }
0x69: {  	_ =	swait.ge [sflag:s25], $0x7D00  }
0x6a: {  	[sflag:s25] =	ssyncset.done $0x0  }
0x6b: {  	[sflag:s25] =	ssyncadd.s32 $0xFFFF8300  }
0x6c: {  	[spmem:s3] =	stream.indirect.scatter.add.f32 [tilespmem:s24], [sflag:$0x2], $0x20, s22, s23, $0xb8;
	[tilespmem:$0x1A600] =	vst v63  }
0x6d: {  	_ = 	snop  }
0x6e: {  	[tilespmem:s26], [sflag:$0x1] =	stream.indirect.gather [spmem:s1], $0x20, s23, s23, $0xb8;
	[tilespmem:$0x1A600] =	vst v63  }
0x6f: {  	_ =	swait.ge [sflag:s25], $0x7D00  }
0x70: {  	[sflag:s25] =	ssyncset.done $0x0  }
0x71: {  	[sflag:s25] =	ssyncadd.s32 $0xFFFF8300  }
0x72: {  	[spmem:s3] =	stream.indirect.scatter.add.f32 [tilespmem:s26], [sflag:$0x2], $0x20, s28, s23, $0xb8;
	[tilespmem:$0x1A600] =	vst v63  }
0x73: {  	_ =	swait.ge [sflag:s29], $0x7D00  }
0x74: {  	[sflag:s29] =	ssyncset.done $0x0  }
0x75: {  	[sflag:s29] =	ssyncadd.s32 $0xFFFF8300  }
0x76: {  	_ =	swait.ge [sflag:s29], $0x7D00  }
0x77: {  	[sflag:s29] =	ssyncset.done $0x0  }
0x78: {  	[sflag:s29] =	ssyncadd.s32 $0xFFFF8300  }
0x79: {  	s8 =	simm.s32 @p0 $0x1;
	s12 =	simm.s32 @p0 $0x1FC3;
	[bflag:$0x0] =	sbarrier.arrive $0xFFFF  }
0x7a: {  	s10 =	simm.s32 @p0 $0x10;
	s11 =	simm.s32 @p0 $0x4;
	s14 =	rddreg [dreg:$0xc]  }
0x7b: {  	[hbm:s14@s10], [sflag:s12] =	dma.strided @p0 [spmem:s0@s11], $0x640, s8, $0x4   }
0x7c: {  	s14 =	simm.s32 @p0 $0x3  }
0x7d: {  	_ =	swait.ge @p0 [sflag:s14], $0x640  }
0x7e: {  	[sflag:s14] =	ssyncset.done @p0 $0x0  }
0x7f: {  	[sflag:s14] =	ssyncadd.s32 @p0 $0xFFFFF9C0  }
0x80: {  	[bflag:$0x0] =	sbarrier.arrive @p0 $0xFFFF  }
0x81: {  	[spmem:s5@s11], [sflag:s12] =	dma.strided @p0 [hbm:s15@s10], $0x640, s8, $0x4   }
0x82: {  	_ =	swait.ge @p0 [sflag:s14], $0x640  }
0x83: {  	[sflag:s14] =	ssyncset.done @p0 $0x0  }
0x84: {  	[sflag:s14] =	ssyncadd.s32 @p0 $0xFFFFF9C0  }
0x85: {  	[spmem:s0@s11], [sflag:s12] =	dma.strided @p0 [hbm:s15@s10], $0x640, s8, $0x4   }
0x86: {  	s8 =	simm.s32 @!p0 $0x1;
	s10 =	simm.s32 @!p0 $0x10;
	_ =	swait.ge @p0 [sflag:s14], $0x640  }
0x87: {  	s11 =	simm.s32 @!p0 $0x4;
	[sflag:s14] =	ssyncset.done @p0 $0x0;
	s5 =	rddreg [dreg:$0xb]  }
0x88: {  	s12 =	rddreg [dreg:$0xa];
	[sflag:s14] =	ssyncadd.s32 @p0 $0xFFFFF9C0;
	s5 =	sshrl.u32 @!p0 s5, $0x3  }
0x89: {  	[hbm:s12@s10], [sflag:s31] =	dma.strided @!p0 [spmem:s5@s11], $0xA00, s8, $0x4   }
0x8a: {  	s12 =	simm.s32 @!p0 $0x3  }
0x8b: {  	_ =	swait.ge @!p0 [sflag:s12], $0xA00  }
0x8c: {  	[sflag:s12] =	ssyncset.done @!p0 $0x0  }
0x8d: {  	[sflag:s12] =	ssyncadd.s32 @!p0 $0xFFFFF600  }
0x8e: {  	[bflag:$0x0] =	sbarrier.arrive @!p0 $0xFFFF  }
0x8f: {  	[spmem:s2@s11], [sflag:s31] =	dma.strided @!p0 [hbm:s13@s10], $0xA00, s8, $0x4   }
0x90: {  	_ =	swait.ge @!p0 [sflag:s12], $0xA00  }
0x91: {  	[sflag:s12] =	ssyncset.done @!p0 $0x0  }
0x92: {  	[sflag:s12] =	ssyncadd.s32 @!p0 $0xFFFFF600  }
0x93: {  	[spmem:s7@s11], [sflag:s31] =	dma.strided @!p0 [hbm:s13@s10], $0xA00, s8, $0x4   }
0x94: {  	_ =	swait.ge @!p0 [sflag:s12], $0xA00  }
0x95: {  	[sflag:s12] =	ssyncset.done @!p0 $0x0  }
0x96: {  	[sflag:s12] =	ssyncadd.s32 @!p0 $0xFFFFF600  }
0x97: {  	s12 =	sadd.s32 $0x0, s19;
	[bflag:$0x0] =	sbarrier.arrive $0xFFFF  }
0x98: {  	[tilespmem:s4], [sflag:$0x3] =	stream.linear.gather [hbm4b:s12+s4], $0x7D0, $0x38;
	[tilespmem:$0x1A600] =	vst v63  }
0x99: {  	_ =	swait.ge [sflag:s21], $0x7D0  }
0x9a: {  	[sflag:s21] =	ssyncset.done $0x0  }
0x9b: {  	s14 =	sadd.s32 $0x0, s20;
	[sflag:s21] =	ssyncadd.s32 $0xFFFFF830  }
0x9c: {  	[tilespmem:s22], [sflag:$0x3] =	stream.linear.gather [hbm4b:s14+s4], $0x7D0, $0x38;
	[tilespmem:$0x1A600] =	vst v63  }
0x9d: {  	_ =	swait.ge [sflag:s21], $0x7D0  }
0x9e: {  	[sflag:s21] =	ssyncset.done $0x0  }
0x9f: {  	[sflag:s21] =	ssyncadd.s32 $0xFFFFF830  }
0xa0: {  	[tilespmem:s24], [sflag:$0x1] =	stream.indirect.gather [spmem:s1], $0x20, s4, s23, $0xb8;
	[tilespmem:$0x1A600] =	vst v63  }
0xa1: {  	_ =	swait.ge [sflag:s25], $0x7D00  }
0xa2: {  	[sflag:s25] =	ssyncset.done $0x0  }
0xa3: {  	[sflag:s25] =	ssyncadd.s32 $0xFFFF8300  }
0xa4: {  	[spmem:s3] =	stream.indirect.scatter.add.f32 [tilespmem:s24], [sflag:$0x2], $0x20, s22, s23, $0xb8;
	[tilespmem:$0x1A600] =	vst v63  }
0xa5: {  	_ = 	snop  }
0xa6: {  	[tilespmem:s26], [sflag:$0x1] =	stream.indirect.gather [spmem:s1], $0x20, s23, s23, $0xb8;
	[tilespmem:$0x1A600] =	vst v63  }
0xa7: {  	_ =	swait.ge [sflag:s25], $0x7D00  }
0xa8: {  	[sflag:s25] =	ssyncset.done $0x0  }
0xa9: {  	[sflag:s25] =	ssyncadd.s32 $0xFFFF8300  }
0xaa: {  	[spmem:s3] =	stream.indirect.scatter.add.f32 [tilespmem:s26], [sflag:$0x2], $0x20, s28, s23, $0xb8;
	[tilespmem:$0x1A600] =	vst v63  }
0xab: {  	_ =	swait.ge [sflag:s29], $0x7D00  }
0xac: {  	[sflag:s29] =	ssyncset.done $0x0  }
0xad: {  	[sflag:s29] =	ssyncadd.s32 $0xFFFF8300  }
0xae: {  	_ =	swait.ge [sflag:s29], $0x7D00  }
0xaf: {  	s2 =	simm.s32 $0xFA;
	s7 =	simm.s32 $0x1F4;
	[sflag:s29] =	ssyncset.done $0x0  }
.LBB2_4:
0xb0: {  	s8 =	sadd.s32 s2, s19  }
0xb1: {  	[sflag:s29] =	ssyncadd.s32 $0xFFFF8300;
	s10 =	smov.u32 s7;
	s11 =	sadd.s32 $0xFA, s7  }
0xb2: {  	[tilespmem:s4], [sflag:$0x3] =	stream.linear.gather [hbm4b:s8+s4], $0x7D0, $0x38;
	[tilespmem:$0x1A600] =	vst v63  }
0xb3: {  	p1 =	sne.s32 s7, $0x8CA;
	_ =	swait.ge [sflag:s21], $0x7D0  }
0xb4: {  	[sflag:s21] =	ssyncset.done $0x0  }
0xb5: {  	s7 =	sadd.s32 s2, s20;
	s2 =	smov.u32 s10;
	[sflag:s21] =	ssyncadd.s32 $0xFFFFF830  }
0xb6: {  	[tilespmem:s22], [sflag:$0x3] =	stream.linear.gather [hbm4b:s7+s4], $0x7D0, $0x38;
	[tilespmem:$0x1A600] =	vst v63  }
0xb7: {  	_ =	swait.ge [sflag:s21], $0x7D0  }
0xb8: {  	[sflag:s21] =	ssyncset.done $0x0  }
0xb9: {  	[sflag:s21] =	ssyncadd.s32 $0xFFFFF830  }
0xba: {  	[tilespmem:s24], [sflag:$0x1] =	stream.indirect.gather [spmem:s1], $0x20, s4, s23, $0xb8;
	[tilespmem:$0x1A600] =	vst v63  }
0xbb: {  	_ =	swait.ge [sflag:s25], $0x7D00  }
0xbc: {  	[sflag:s25] =	ssyncset.done $0x0  }
0xbd: {  	[sflag:s25] =	ssyncadd.s32 $0xFFFF8300  }
0xbe: {  	[spmem:s3] =	stream.indirect.scatter.add.f32 [tilespmem:s24], [sflag:$0x2], $0x20, s22, s23, $0xb8;
	[tilespmem:$0x1A600] =	vst v63  }
0xbf: {  	_ = 	snop  }
0xc0: {  	[tilespmem:s26], [sflag:$0x1] =	stream.indirect.gather [spmem:s1], $0x20, s23, s23, $0xb8;
	[tilespmem:$0x1A600] =	vst v63  }
0xc1: {  	_ =	swait.ge [sflag:s25], $0x7D00  }
0xc2: {  	[sflag:s25] =	ssyncset.done $0x0  }
0xc3: {  	[sflag:s25] =	ssyncadd.s32 $0xFFFF8300  }
0xc4: {  	[spmem:s3] =	stream.indirect.scatter.add.f32 [tilespmem:s26], [sflag:$0x2], $0x20, s28, s23, $0xb8;
	[tilespmem:$0x1A600] =	vst v63  }
.Ltmp1:
0xc5: {  	_ =	swait.ge [sflag:s29], $0x7D00;
	(pc) =	sbr.rel @p1 .LBB2_4-.Ltmp1, $4  }
0xc6: {  	[sflag:s29] =	ssyncset.done $0x0  }
0xc7: {  	[sflag:s29] =	ssyncadd.s32 $0xFFFF8300  }
0xc8: {  	_ =	swait.ge [sflag:s29], $0x7D00  }
0xc9: {  	s7 =	smov.u32 s11;
	[sflag:s29] =	ssyncset.done $0x0  }
0xca: {  	s7 =	sadd.s32 s2, s19;
	[sflag:s29] =	ssyncadd.s32 $0xFFFF8300  }
0xcb: {  	[tilespmem:s4], [sflag:$0x3] =	stream.linear.gather [hbm4b:s7+s4], $0x7D0, $0x38;
	[tilespmem:$0x1A600] =	vst v63  }
0xcc: {  	_ =	swait.ge [sflag:s21], $0x7D0  }
0xcd: {  	[sflag:s21] =	ssyncset.done $0x0  }
0xce: {  	s14 =	sadd.s32 s2, s20;
	[sflag:s21] =	ssyncadd.s32 $0xFFFFF830  }
0xcf: {  	[tilespmem:s22], [sflag:$0x3] =	stream.linear.gather [hbm4b:s14+s4], $0x7D0, $0x38;
	[tilespmem:$0x1A600] =	vst v63  }
0xd0: {  	_ =	swait.ge [sflag:s21], $0x7D0  }
0xd1: {  	[sflag:s21] =	ssyncset.done $0x0  }
0xd2: {  	[sflag:s21] =	ssyncadd.s32 $0xFFFFF830  }
0xd3: {  	[tilespmem:s24], [sflag:$0x1] =	stream.indirect.gather [spmem:s1], $0x20, s4, s23, $0xb8;
	[tilespmem:$0x1A600] =	vst v63  }
0xd4: {  	_ =	swait.ge [sflag:s25], $0x7D00  }
0xd5: {  	[sflag:s25] =	ssyncset.done $0x0  }
0xd6: {  	[sflag:s25] =	ssyncadd.s32 $0xFFFF8300  }
0xd7: {  	[spmem:s3] =	stream.indirect.scatter.add.f32 [tilespmem:s24], [sflag:$0x2], $0x20, s22, s23, $0xb8;
	[tilespmem:$0x1A600] =	vst v63  }
0xd8: {  	_ = 	snop  }
0xd9: {  	[tilespmem:s26], [sflag:$0x1] =	stream.indirect.gather [spmem:s1], $0x20, s23, s23, $0xb8;
	[tilespmem:$0x1A600] =	vst v63  }
0xda: {  	_ =	swait.ge [sflag:s25], $0x7D00  }
0xdb: {  	[sflag:s25] =	ssyncset.done $0x0  }
0xdc: {  	[sflag:s25] =	ssyncadd.s32 $0xFFFF8300  }
0xdd: {  	[spmem:s3] =	stream.indirect.scatter.add.f32 [tilespmem:s26], [sflag:$0x2], $0x20, s28, s23, $0xb8;
	[tilespmem:$0x1A600] =	vst v63  }
0xde: {  	_ =	swait.ge [sflag:s29], $0x7D00  }
0xdf: {  	[sflag:s29] =	ssyncset.done $0x0  }
0xe0: {  	[sflag:s29] =	ssyncadd.s32 $0xFFFF8300  }
0xe1: {  	_ =	swait.ge [sflag:s29], $0x7D00  }
0xe2: {  	[sflag:s29] =	ssyncset.done $0x0  }
0xe3: {  	s2 =	simm.s32 @p0 $0x1;
	s8 =	simm.s32 @p0 $0x4;
	[sflag:s29] =	ssyncadd.s32 $0xFFFF8300  }
0xe4: {  	s10 =	simm.s32 @p0 $0x1FC3;
	s7 =	simm.s32 @p0 $0x10;
	[bflag:$0x0] =	sbarrier.arrive $0xFFFF  }
0xe5: {  	[hbm:s16@s7], [sflag:s10] =	dma.strided @p0 [spmem:s0@s8], $0x640, s2, $0x4   }
0xe6: {  	s0 =	simm.s32 @p0 $0x3  }
0xe7: {  	_ =	swait.ge @p0 [sflag:s0], $0x640  }
0xe8: {  	s30 =	sadd.s32 $0x1, s30;
	s2 =	simm.s32 @!p0 $0x10;
	[sflag:s0] =	ssyncset.done @p0 $0x0  }
0xe9: {  	s7 =	simm.s32 @!p0 $0x4;
	[sflag:s0] =	ssyncadd.s32 @p0 $0xFFFFF9C0;
	s0 =	simm.s32 @!p0 $0x1  }
0xea: {  	[hbm:s18@s2], [sflag:s31] =	dma.strided @!p0 [spmem:s5@s7], $0xA00, s0, $0x4   }
0xeb: {  	p1 =	sne.s32 s30, s17;
	s0 =	simm.s32 @!p0 $0x3  }
.Ltmp2:
0xec: {  	_ =	swait.ge @!p0 [sflag:s0], $0xA00;
	(pc) =	sbr.rel @p1 .LBB2_1-.Ltmp2, $3  }
0xed: {  	[sflag:s0] =	ssyncset.done @!p0 $0x0  }
0xee: {  	[sflag:s0] =	ssyncadd.s32 @!p0 $0xFFFFF600  }
0xef: {  	[bflag:$0x0] =	sbarrier.arrive $0xFFFF;
	_ =	sdelay $0x1  }
0xf0: {  	_ =	sfence.sel $0x180000  }
0xf1: {  	[bflag:$0x0] =	sbarrier.arrive $0xFFFF  }
0xf2: {  	_ =	strace $0x90000047  }
0xf3: {  	s0 =	stileid.u32;
	[bflag:$0x2] =	sbarrier.arrive $0xFFFF  }
0xf4: {  	p0 =	sne.s32 s0, $0x0;
	s0 =	rddreg [dreg:$0x5]  }
0xf5: {  	s0 =	sadd.s32 @!p0 $0x100000, s0  }
0xf6: {  	[sflag:s0] =	ssyncadd.tile.s32 @!p0 $0x1;
	_ =	shalt  }
.Lfunc_end2:
_tile_overlayer_lowered:
.L_overlay_start_2:
0xf7: {  	(tag) =	ssettag $0x2  }
0xf8: {  	s0 =	rddreg [dreg:$0x0];
	s2 =	stileid.u32  }
0xf9: {  	s1 =	rddreg [dreg:$0x1];
	p0 =	sne.s32 s2, $0x0  }
0xfa: {  	s3 =	rddreg [dreg:$0x2];
	[bflag:$0x3] =	sbarrier.arrive $0xFFFF;
	s2 =	simm.s32 @!p0 $0x1C03  }
0xfb: {  	[timem:s3], [sflag:s2] =	dma.local @!p0 [hbm:s0], s1  }
0xfc: {  	s0 =	simm.s32 @!p0 $0x3  }
0xfd: {  	_ =	swait.ge @!p0 [sflag:s0], s1  }
0xfe: {  	s1 =	ssub.s32 @!p0 $0x0, s1;
	[sflag:s0] =	ssyncset.done @!p0 $0x0  }
0xff: {  	[sflag:s0] =	ssyncadd.s32 @!p0 s1  }
0x100: {  	[bflag:$0x3] =	sbarrier.arrive $0xFFFF  }
0x101: {  	_ =	shalt  }

</sc_bundles>
